<compile_context>
chip_gen: v7x
topology: tpu7x:2x2x1
jax: 0.10.2.dev20260603
libtpu: 0.0.44.dev20260713+nightly
codegen_flags: <defaults>
</compile_context>

<pallas_src>
import functools

import jax
import jax.numpy as jnp
from jax import lax
from jax.experimental import pallas as pl
from jax.experimental.pallas import tpu as pltpu
from jax.experimental.pallas import tpu_sc as plsc


def _make_proj_body(PACK):
    def body(*refs):
        x_refs = refs[:PACK]
        w_ref, b_ref, out_ref = refs[PACK:]
        x = jnp.concatenate([r[...] for r in x_refs], axis=0)
        out_ref[...] = (
            lax.dot_general(
                x, w_ref[...], (((0,), (0,)), ((), ())),
                preferred_element_type=jnp.float32,
            )
            + b_ref[...]
        )

    return body


def _project_t(embt, w512, b128, PACK):
    D, VP = embt.shape
    VQ = VP // PACK
    CB = 4096
    assert VQ % CB == 0
    grid = VQ // CB
    nb = VQ // CB

    def mk_index_map(p):
        return lambda i: (0, p * nb + i)

    return pl.pallas_call(
        _make_proj_body(PACK),
        grid=(grid,),
        in_specs=[
            pl.BlockSpec((D, CB), mk_index_map(p)) for p in range(PACK)
        ]
        + [
            pl.BlockSpec((D * PACK, 128), lambda i: (0, 0)),
            pl.BlockSpec((1, 128), lambda i: (0, 0)),
        ],
        out_specs=pl.BlockSpec((CB, 128), lambda i: (i, 0)),
        out_shape=jax.ShapeDtypeStruct((VQ, 128), jnp.float32),
    )(*([embt] * PACK), w512, b128)


@functools.lru_cache(maxsize=None)
def _make_gather(V, N, B):
    info = plsc.get_sparse_core_info()
    NC, NS = info.num_cores, info.num_subcores
    NW = NC * NS
    assert B % NW == 0
    b_per_w = B // NW
    mesh = plsc.VectorSubcoreMesh(core_axis_name="c", subcore_axis_name="s")

    IW = 128
    assert b_per_w % IW == 0
    rows_per_w = b_per_w // IW
    G = 10
    NB = 2
    assert rows_per_w % (G * NB) == 0
    n_steps = rows_per_w // (G * NB)

    @functools.partial(
        pl.kernel,
        mesh=mesh,
        out_type=jax.ShapeDtypeStruct((B, N), jnp.float32),
        scratch_types=[
            pltpu.VMEM((rows_per_w, IW), jnp.int32),
            pltpu.VMEM((G * IW, N), jnp.float32),
            pltpu.VMEM((G * IW, N), jnp.float32),
            pltpu.SemaphoreType.DMA,
            pltpu.SemaphoreType.DMA,
        ],
        compiler_params=pltpu.CompilerParams(use_tc_tiling_on_sc=False),
    )
    def gather(proj_hbm, idx_hbm, out_hbm, idx_v, rows0, rows1, sem0, sem1):
        wid = lax.axis_index("s") * NC + lax.axis_index("c")
        base = wid * b_per_w
        pltpu.sync_copy(idx_hbm.at[pl.ds(wid * rows_per_w, rows_per_w)], idx_v)
        bufs = (rows0, rows1)
        sems = (sem0, sem1)

        def fire(g2, b):
            g = g2 * NB + b
            return [
                pltpu.async_copy(
                    proj_hbm.at[idx_v.at[g * G + r]],
                    bufs[b].at[pl.ds(r * IW, IW)],
                    sems[b],
                )
                for r in range(G)
            ]

        def drain(g2, b, copies):
            g = g2 * NB + b
            for c in copies:
                c.wait()
            pltpu.sync_copy(bufs[b], out_hbm.at[pl.ds(base + g * G * IW, G * IW)])

        def step(g2, carry):
            copies = [fire(g2, b) for b in range(NB)]
            for b in range(NB):
                drain(g2, b, copies[b])
            return carry

        lax.fori_loop(0, n_steps, step, 0)

    return gather


def kernel(text, emb_table, fc_w, fc_b):
    Bt, S = text.shape
    V, D = emb_table.shape
    N = fc_w.shape[0]
    NP = 8
    VP = 1048576

    PACK = 128 // NP
    VQ = VP // PACK

    wt = jnp.zeros((D, NP), jnp.float32).at[:, :N].set(fc_w.T)
    ar = jnp.arange(PACK)
    w512 = (
        jnp.zeros((PACK, D, PACK, NP), jnp.float32)
        .at[ar, :, ar, :]
        .set(jnp.broadcast_to(wt[None, :, :], (PACK, D, NP)))
        .reshape(D * PACK, PACK * NP)
    )
    b128 = jnp.tile(jnp.zeros((NP,), jnp.float32).at[:N].set(fc_b), PACK).reshape(1, 128)

    embt = jnp.pad(emb_table.T, ((0, 0), (0, VP - V)))
    proj = _project_t(embt, w512, b128, PACK).reshape(VP, NP)
    tix = text.astype(jnp.int32).T
    tix = ((tix % VQ) * PACK) + (tix // VQ)
    idx = tix.reshape(-1, 128)
    out = _make_gather(VP, NP, idx.size)(proj, idx)
    return out[:, :N].reshape(S, Bt, N).transpose(1, 0, 2)

# --- scband reference (transcript-rebuilt; emitter-appended) ---
"""Pipeline reference for scband-text-classification-model-27771258536194 (READ-ONLY COPY).

The authoritative reference and input builder live on the scoring server;
editing this copy changes nothing except your own understanding.
"""

import jax, jax.numpy as jnp
import numpy as np

VOCAB = 1000000
EMBED_DIM = 32
NUM_CLASS = 4
BATCH = 16384
SEQ = 50

def setup_inputs(seed: int = 0) -> dict:
    key = jax.random.key(seed)
    k1, k2, k3 = jax.random.split(key, 3)
    text = jax.random.randint(k1, (BATCH, SEQ), 0, VOCAB, dtype=jnp.int64 if jax.config.jax_enable_x64 else jnp.int32)
    initrange = 0.5
    emb_table = jax.random.uniform(k2, (VOCAB, EMBED_DIM), dtype=jnp.float32, minval=-initrange, maxval=initrange)
    fc_w = jax.random.uniform(k3, (NUM_CLASS, EMBED_DIM), dtype=jnp.float32, minval=-initrange, maxval=initrange)
    fc_b = jnp.zeros((NUM_CLASS,), dtype=jnp.float32)
    return {"text": text, "emb_table": emb_table, "fc_w": fc_w, "fc_b": fc_b}

def reference(text, emb_table, fc_w, fc_b):
    # nn.Embedding lookup: [B, L] -> [B, L, embed_dim]
    embedded = jnp.take(emb_table, text, axis=0)
    # nn.Linear: x @ W.T + b -> [B, L, num_class]
    out = jnp.einsum('blc,nc->bln', embedded, fc_w) + fc_b
    return out

if __name__ == "__main__":
    import jax
    _d = setup_inputs()
    print(jax.jit(kernel)(*tuple(_d.values())))

</pallas_src>

<mosaic_0001>
#map = affine_map<(d0, d1) -> (0, 0)>
module attributes {stable_mosaic.version = 14 : i64} {
  func.func @gather(%arg0: i32, %arg1: i32, %arg2: memref<1048576x8xf32, #tpu.memory_space<hbm>>, %arg3: memref<6400x128xi32, #tpu.memory_space<hbm>>, %arg4: memref<819200x8xf32, #tpu.memory_space<hbm>>, %arg5: memref<200x128xi32, #tpu.memory_space<vmem>>, %arg6: memref<1280x8xf32, #tpu.memory_space<vmem>>, %arg7: memref<1280x8xf32, #tpu.memory_space<vmem>>, %arg8: memref<!tpu.dma_semaphore, #tpu.memory_space<semaphore_mem>>, %arg9: memref<!tpu.dma_semaphore, #tpu.memory_space<semaphore_mem>>) attributes {dimension_semantics = [#tpu.dimension_semantics<core_parallel>, #tpu.dimension_semantics<subcore_parallel>], iteration_bounds = array<i64: 2, 16>, scalar_prefetch = 0 : i64, scratch_operands = 5 : i64, tpu.core_type = #tpu.core_type<sc_vector_subcore>, window_params = [{transform_indices = #map}, {transform_indices = #map}, {transform_indices = #map}]} {
    %mul3A = arith.constant 2 : i32
    %mul3A_0 = arith.muli %arg1, %mul3A : i32
    %add3A = arith.addi %mul3A_0, %arg0 : i32
    %mul3A_1 = arith.constant 25600 : i32
    %mul3A_2 = arith.muli %add3A, %mul3A_1 : i32
    %mul3A_3 = arith.constant 200 : i32
    %mul3A_4 = arith.muli %add3A, %mul3A_3 : i32
    "tpu.region"() ({
      %run_scoped3A = tpu.sem_alloc : memref<!tpu.dma_semaphore, #tpu.memory_space<semaphore_mem>>
      %dma_start3A = arith.constant 0 : i32
      %dma_start3A_10 = tpu.memref_slice %arg3[%mul3A_4, %dma_start3A] : memref<6400x128xi32, #tpu.memory_space<hbm>> -> memref<200x128xi32, #tpu.memory_space<hbm>>
      %dma_start3A_11 = arith.constant 0 : i32
      %dma_start3A_12 = tpu.memref_slice %arg3[%mul3A_4, %dma_start3A_11] : memref<6400x128xi32, #tpu.memory_space<hbm>> -> memref<200x128xi32, #tpu.memory_space<hbm>>
      tpu.enqueue_dma source(%dma_start3A_12 : memref<200x128xi32, #tpu.memory_space<hbm>>) target(%arg5 : memref<200x128xi32, #tpu.memory_space<vmem>>) target_semaphore(%run_scoped3A : memref<!tpu.dma_semaphore, #tpu.memory_space<semaphore_mem>>)
      %dma_wait3A = arith.constant 0 : i32
      %dma_wait3A_13 = tpu.memref_slice %arg3[%mul3A_4, %dma_wait3A] : memref<6400x128xi32, #tpu.memory_space<hbm>> -> memref<200x128xi32, #tpu.memory_space<hbm>>
      %dma_wait3A_14 = arith.constant 0 : i32
      %dma_wait3A_15 = tpu.memref_slice %arg3[%mul3A_4, %dma_wait3A_14] : memref<6400x128xi32, #tpu.memory_space<hbm>> -> memref<200x128xi32, #tpu.memory_space<hbm>>
      tpu.wait_dma2 semaphore(%run_scoped3A : memref<!tpu.dma_semaphore, #tpu.memory_space<semaphore_mem>>) src(%dma_wait3A_15 : memref<200x128xi32, #tpu.memory_space<hbm>>) dst(%arg5 : memref<200x128xi32, #tpu.memory_space<vmem>>)
      tpu.yield
    }) : () -> ()
    %scan3A = arith.constant 0 : i32
    %scan3A_5 = arith.constant 0 : i32
    %scan3A_6 = arith.constant 10 : i32
    %scan3A_7 = arith.addi %scan3A_5, %scan3A_6 : i32
    %scan3A_8 = arith.constant 1 : i32
    scf.for %scan3A_10 = %scan3A_5 to %scan3A_7 step %scan3A_8  : i32 {
      %mul3A_11 = arith.constant 2 : i32
      %mul3A_12 = arith.muli %scan3A_10, %mul3A_11 : i32
      %add3A_13 = arith.constant 0 : i32
      %add3A_14 = arith.addi %mul3A_12, %add3A_13 : i32
      %mul3A_15 = arith.constant 10 : i32
      %mul3A_16 = arith.muli %add3A_14, %mul3A_15 : i32
      %add3A_17 = arith.constant 0 : i32
      %add3A_18 = arith.addi %mul3A_16, %add3A_17 : i32
      %dma_start3A = arith.constant 0 : i32
      %dma_start3A_19 = arith.constant 0 : i32
      %dma_start3A_20 = tpu.memref_slice %arg6[%dma_start3A, %dma_start3A_19] : memref<1280x8xf32, #tpu.memory_space<vmem>> -> memref<128x8xf32, #tpu.memory_space<vmem>>
      %dma_start3A_21 = arith.constant 0 : i32
      %dma_start3A_22 = tpu.memref_slice %arg5[%add3A_18, %dma_start3A_21] : memref<200x128xi32, #tpu.memory_space<vmem>> -> memref<1x128xi32, #tpu.memory_space<vmem>>
      %dma_start3A_23 = tpu.memref_squeeze %dma_start3A_22 : memref<1x128xi32, #tpu.memory_space<vmem>> -> memref<128xi32, #tpu.memory_space<vmem>>
      %dma_start3A_24 = arith.constant 0 : i32
      %dma_start3A_25 = arith.constant 0 : i32
      %dma_start3A_26 = tpu.memref_slice %arg2[%dma_start3A_24, %dma_start3A_25] : memref<1048576x8xf32, #tpu.memory_space<hbm>> -> memref<1048576x8xf32, #tpu.memory_space<hbm>>
      tpu.enqueue_indirect_dma source(%dma_start3A_26 : memref<1048576x8xf32, #tpu.memory_space<hbm>>) target(%dma_start3A_20 : memref<128x8xf32, #tpu.memory_space<vmem>>) offsets(%dma_start3A_23 : memref<128xi32, #tpu.memory_space<vmem>>) semaphore(%arg8 : memref<!tpu.dma_semaphore, #tpu.memory_space<semaphore_mem>>)
      %mul3A_27 = arith.constant 10 : i32
      %mul3A_28 = arith.muli %add3A_14, %mul3A_27 : i32
      %add3A_29 = arith.constant 1 : i32
      %add3A_30 = arith.addi %mul3A_28, %add3A_29 : i32
      %dma_start3A_31 = arith.constant 128 : i32
      %dma_start3A_32 = arith.constant 0 : i32
      %dma_start3A_33 = tpu.memref_slice %arg6[%dma_start3A_31, %dma_start3A_32] : memref<1280x8xf32, #tpu.memory_space<vmem>> -> memref<128x8xf32, #tpu.memory_space<vmem>>
      %dma_start3A_34 = arith.constant 0 : i32
      %dma_start3A_35 = tpu.memref_slice %arg5[%add3A_30, %dma_start3A_34] : memref<200x128xi32, #tpu.memory_space<vmem>> -> memref<1x128xi32, #tpu.memory_space<vmem>>
      %dma_start3A_36 = tpu.memref_squeeze %dma_start3A_35 : memref<1x128xi32, #tpu.memory_space<vmem>> -> memref<128xi32, #tpu.memory_space<vmem>>
      %dma_start3A_37 = arith.constant 0 : i32
      %dma_start3A_38 = arith.constant 0 : i32
      %dma_start3A_39 = tpu.memref_slice %arg2[%dma_start3A_37, %dma_start3A_38] : memref<1048576x8xf32, #tpu.memory_space<hbm>> -> memref<1048576x8xf32, #tpu.memory_space<hbm>>
      tpu.enqueue_indirect_dma source(%dma_start3A_39 : memref<1048576x8xf32, #tpu.memory_space<hbm>>) target(%dma_start3A_33 : memref<128x8xf32, #tpu.memory_space<vmem>>) offsets(%dma_start3A_36 : memref<128xi32, #tpu.memory_space<vmem>>) semaphore(%arg8 : memref<!tpu.dma_semaphore, #tpu.memory_space<semaphore_mem>>)
      %mul3A_40 = arith.constant 10 : i32
      %mul3A_41 = arith.muli %add3A_14, %mul3A_40 : i32
      %add3A_42 = arith.constant 2 : i32
      %add3A_43 = arith.addi %mul3A_41, %add3A_42 : i32
      %dma_start3A_44 = arith.constant 256 : i32
      %dma_start3A_45 = arith.constant 0 : i32
      %dma_start3A_46 = tpu.memref_slice %arg6[%dma_start3A_44, %dma_start3A_45] : memref<1280x8xf32, #tpu.memory_space<vmem>> -> memref<128x8xf32, #tpu.memory_space<vmem>>
      %dma_start3A_47 = arith.constant 0 : i32
      %dma_start3A_48 = tpu.memref_slice %arg5[%add3A_43, %dma_start3A_47] : memref<200x128xi32, #tpu.memory_space<vmem>> -> memref<1x128xi32, #tpu.memory_space<vmem>>
      %dma_start3A_49 = tpu.memref_squeeze %dma_start3A_48 : memref<1x128xi32, #tpu.memory_space<vmem>> -> memref<128xi32, #tpu.memory_space<vmem>>
      %dma_start3A_50 = arith.constant 0 : i32
      %dma_start3A_51 = arith.constant 0 : i32
      %dma_start3A_52 = tpu.memref_slice %arg2[%dma_start3A_50, %dma_start3A_51] : memref<1048576x8xf32, #tpu.memory_space<hbm>> -> memref<1048576x8xf32, #tpu.memory_space<hbm>>
      tpu.enqueue_indirect_dma source(%dma_start3A_52 : memref<1048576x8xf32, #tpu.memory_space<hbm>>) target(%dma_start3A_46 : memref<128x8xf32, #tpu.memory_space<vmem>>) offsets(%dma_start3A_49 : memref<128xi32, #tpu.memory_space<vmem>>) semaphore(%arg8 : memref<!tpu.dma_semaphore, #tpu.memory_space<semaphore_mem>>)
      %mul3A_53 = arith.constant 10 : i32
      %mul3A_54 = arith.muli %add3A_14, %mul3A_53 : i32
      %add3A_55 = arith.constant 3 : i32
      %add3A_56 = arith.addi %mul3A_54, %add3A_55 : i32
      %dma_start3A_57 = arith.constant 384 : i32
      %dma_start3A_58 = arith.constant 0 : i32
      %dma_start3A_59 = tpu.memref_slice %arg6[%dma_start3A_57, %dma_start3A_58] : memref<1280x8xf32, #tpu.memory_space<vmem>> -> memref<128x8xf32, #tpu.memory_space<vmem>>
      %dma_start3A_60 = arith.constant 0 : i32
      %dma_start3A_61 = tpu.memref_slice %arg5[%add3A_56, %dma_start3A_60] : memref<200x128xi32, #tpu.memory_space<vmem>> -> memref<1x128xi32, #tpu.memory_space<vmem>>
      %dma_start3A_62 = tpu.memref_squeeze %dma_start3A_61 : memref<1x128xi32, #tpu.memory_space<vmem>> -> memref<128xi32, #tpu.memory_space<vmem>>
      %dma_start3A_63 = arith.constant 0 : i32
      %dma_start3A_64 = arith.constant 0 : i32
      %dma_start3A_65 = tpu.memref_slice %arg2[%dma_start3A_63, %dma_start3A_64] : memref<1048576x8xf32, #tpu.memory_space<hbm>> -> memref<1048576x8xf32, #tpu.memory_space<hbm>>
      tpu.enqueue_indirect_dma source(%dma_start3A_65 : memref<1048576x8xf32, #tpu.memory_space<hbm>>) target(%dma_start3A_59 : memref<128x8xf32, #tpu.memory_space<vmem>>) offsets(%dma_start3A_62 : memref<128xi32, #tpu.memory_space<vmem>>) semaphore(%arg8 : memref<!tpu.dma_semaphore, #tpu.memory_space<semaphore_mem>>)
      %mul3A_66 = arith.constant 10 : i32
      %mul3A_67 = arith.muli %add3A_14, %mul3A_66 : i32
      %add3A_68 = arith.constant 4 : i32
      %add3A_69 = arith.addi %mul3A_67, %add3A_68 : i32
      %dma_start3A_70 = arith.constant 512 : i32
      %dma_start3A_71 = arith.constant 0 : i32
      %dma_start3A_72 = tpu.memref_slice %arg6[%dma_start3A_70, %dma_start3A_71] : memref<1280x8xf32, #tpu.memory_space<vmem>> -> memref<128x8xf32, #tpu.memory_space<vmem>>
      %dma_start3A_73 = arith.constant 0 : i32
      %dma_start3A_74 = tpu.memref_slice %arg5[%add3A_69, %dma_start3A_73] : memref<200x128xi32, #tpu.memory_space<vmem>> -> memref<1x128xi32, #tpu.memory_space<vmem>>
      %dma_start3A_75 = tpu.memref_squeeze %dma_start3A_74 : memref<1x128xi32, #tpu.memory_space<vmem>> -> memref<128xi32, #tpu.memory_space<vmem>>
      %dma_start3A_76 = arith.constant 0 : i32
      %dma_start3A_77 = arith.constant 0 : i32
      %dma_start3A_78 = tpu.memref_slice %arg2[%dma_start3A_76, %dma_start3A_77] : memref<1048576x8xf32, #tpu.memory_space<hbm>> -> memref<1048576x8xf32, #tpu.memory_space<hbm>>
      tpu.enqueue_indirect_dma source(%dma_start3A_78 : memref<1048576x8xf32, #tpu.memory_space<hbm>>) target(%dma_start3A_72 : memref<128x8xf32, #tpu.memory_space<vmem>>) offsets(%dma_start3A_75 : memref<128xi32, #tpu.memory_space<vmem>>) semaphore(%arg8 : memref<!tpu.dma_semaphore, #tpu.memory_space<semaphore_mem>>)
      %mul3A_79 = arith.constant 10 : i32
      %mul3A_80 = arith.muli %add3A_14, %mul3A_79 : i32
      %add3A_81 = arith.constant 5 : i32
      %add3A_82 = arith.addi %mul3A_80, %add3A_81 : i32
      %dma_start3A_83 = arith.constant 640 : i32
      %dma_start3A_84 = arith.constant 0 : i32
      %dma_start3A_85 = tpu.memref_slice %arg6[%dma_start3A_83, %dma_start3A_84] : memref<1280x8xf32, #tpu.memory_space<vmem>> -> memref<128x8xf32, #tpu.memory_space<vmem>>
      %dma_start3A_86 = arith.constant 0 : i32
      %dma_start3A_87 = tpu.memref_slice %arg5[%add3A_82, %dma_start3A_86] : memref<200x128xi32, #tpu.memory_space<vmem>> -> memref<1x128xi32, #tpu.memory_space<vmem>>
      %dma_start3A_88 = tpu.memref_squeeze %dma_start3A_87 : memref<1x128xi32, #tpu.memory_space<vmem>> -> memref<128xi32, #tpu.memory_space<vmem>>
      %dma_start3A_89 = arith.constant 0 : i32
      %dma_start3A_90 = arith.constant 0 : i32
      %dma_start3A_91 = tpu.memref_slice %arg2[%dma_start3A_89, %dma_start3A_90] : memref<1048576x8xf32, #tpu.memory_space<hbm>> -> memref<1048576x8xf32, #tpu.memory_space<hbm>>
      tpu.enqueue_indirect_dma source(%dma_start3A_91 : memref<1048576x8xf32, #tpu.memory_space<hbm>>) target(%dma_start3A_85 : memref<128x8xf32, #tpu.memory_space<vmem>>) offsets(%dma_start3A_88 : memref<128xi32, #tpu.memory_space<vmem>>) semaphore(%arg8 : memref<!tpu.dma_semaphore, #tpu.memory_space<semaphore_mem>>)
      %mul3A_92 = arith.constant 10 : i32
      %mul3A_93 = arith.muli %add3A_14, %mul3A_92 : i32
      %add3A_94 = arith.constant 6 : i32
      %add3A_95 = arith.addi %mul3A_93, %add3A_94 : i32
      %dma_start3A_96 = arith.constant 768 : i32
      %dma_start3A_97 = arith.constant 0 : i32
      %dma_start3A_98 = tpu.memref_slice %arg6[%dma_start3A_96, %dma_start3A_97] : memref<1280x8xf32, #tpu.memory_space<vmem>> -> memref<128x8xf32, #tpu.memory_space<vmem>>
      %dma_start3A_99 = arith.constant 0 : i32
      %dma_start3A_100 = tpu.memref_slice %arg5[%add3A_95, %dma_start3A_99] : memref<200x128xi32, #tpu.memory_space<vmem>> -> memref<1x128xi32, #tpu.memory_space<vmem>>
      %dma_start3A_101 = tpu.memref_squeeze %dma_start3A_100 : memref<1x128xi32, #tpu.memory_space<vmem>> -> memref<128xi32, #tpu.memory_space<vmem>>
      %dma_start3A_102 = arith.constant 0 : i32
      %dma_start3A_103 = arith.constant 0 : i32
      %dma_start3A_104 = tpu.memref_slice %arg2[%dma_start3A_102, %dma_start3A_103] : memref<1048576x8xf32, #tpu.memory_space<hbm>> -> memref<1048576x8xf32, #tpu.memory_space<hbm>>
      tpu.enqueue_indirect_dma source(%dma_start3A_104 : memref<1048576x8xf32, #tpu.memory_space<hbm>>) target(%dma_start3A_98 : memref<128x8xf32, #tpu.memory_space<vmem>>) offsets(%dma_start3A_101 : memref<128xi32, #tpu.memory_space<vmem>>) semaphore(%arg8 : memref<!tpu.dma_semaphore, #tpu.memory_space<semaphore_mem>>)
      %mul3A_105 = arith.constant 10 : i32
      %mul3A_106 = arith.muli %add3A_14, %mul3A_105 : i32
      %add3A_107 = arith.constant 7 : i32
      %add3A_108 = arith.addi %mul3A_106, %add3A_107 : i32
      %dma_start3A_109 = arith.constant 896 : i32
      %dma_start3A_110 = arith.constant 0 : i32
      %dma_start3A_111 = tpu.memref_slice %arg6[%dma_start3A_109, %dma_start3A_110] : memref<1280x8xf32, #tpu.memory_space<vmem>> -> memref<128x8xf32, #tpu.memory_space<vmem>>
      %dma_start3A_112 = arith.constant 0 : i32
      %dma_start3A_113 = tpu.memref_slice %arg5[%add3A_108, %dma_start3A_112] : memref<200x128xi32, #tpu.memory_space<vmem>> -> memref<1x128xi32, #tpu.memory_space<vmem>>
      %dma_start3A_114 = tpu.memref_squeeze %dma_start3A_113 : memref<1x128xi32, #tpu.memory_space<vmem>> -> memref<128xi32, #tpu.memory_space<vmem>>
      %dma_start3A_115 = arith.constant 0 : i32
      %dma_start3A_116 = arith.constant 0 : i32
      %dma_start3A_117 = tpu.memref_slice %arg2[%dma_start3A_115, %dma_start3A_116] : memref<1048576x8xf32, #tpu.memory_space<hbm>> -> memref<1048576x8xf32, #tpu.memory_space<hbm>>
      tpu.enqueue_indirect_dma source(%dma_start3A_117 : memref<1048576x8xf32, #tpu.memory_space<hbm>>) target(%dma_start3A_111 : memref<128x8xf32, #tpu.memory_space<vmem>>) offsets(%dma_start3A_114 : memref<128xi32, #tpu.memory_space<vmem>>) semaphore(%arg8 : memref<!tpu.dma_semaphore, #tpu.memory_space<semaphore_mem>>)
      %mul3A_118 = arith.constant 10 : i32
      %mul3A_119 = arith.muli %add3A_14, %mul3A_118 : i32
      %add3A_120 = arith.constant 8 : i32
      %add3A_121 = arith.addi %mul3A_119, %add3A_120 : i32
      %dma_start3A_122 = arith.constant 1024 : i32
      %dma_start3A_123 = arith.constant 0 : i32
      %dma_start3A_124 = tpu.memref_slice %arg6[%dma_start3A_122, %dma_start3A_123] : memref<1280x8xf32, #tpu.memory_space<vmem>> -> memref<128x8xf32, #tpu.memory_space<vmem>>
      %dma_start3A_125 = arith.constant 0 : i32
      %dma_start3A_126 = tpu.memref_slice %arg5[%add3A_121, %dma_start3A_125] : memref<200x128xi32, #tpu.memory_space<vmem>> -> memref<1x128xi32, #tpu.memory_space<vmem>>
      %dma_start3A_127 = tpu.memref_squeeze %dma_start3A_126 : memref<1x128xi32, #tpu.memory_space<vmem>> -> memref<128xi32, #tpu.memory_space<vmem>>
      %dma_start3A_128 = arith.constant 0 : i32
      %dma_start3A_129 = arith.constant 0 : i32
      %dma_start3A_130 = tpu.memref_slice %arg2[%dma_start3A_128, %dma_start3A_129] : memref<1048576x8xf32, #tpu.memory_space<hbm>> -> memref<1048576x8xf32, #tpu.memory_space<hbm>>
      tpu.enqueue_indirect_dma source(%dma_start3A_130 : memref<1048576x8xf32, #tpu.memory_space<hbm>>) target(%dma_start3A_124 : memref<128x8xf32, #tpu.memory_space<vmem>>) offsets(%dma_start3A_127 : memref<128xi32, #tpu.memory_space<vmem>>) semaphore(%arg8 : memref<!tpu.dma_semaphore, #tpu.memory_space<semaphore_mem>>)
      %mul3A_131 = arith.constant 10 : i32
      %mul3A_132 = arith.muli %add3A_14, %mul3A_131 : i32
      %add3A_133 = arith.constant 9 : i32
      %add3A_134 = arith.addi %mul3A_132, %add3A_133 : i32
      %dma_start3A_135 = arith.constant 1152 : i32
      %dma_start3A_136 = arith.constant 0 : i32
      %dma_start3A_137 = tpu.memref_slice %arg6[%dma_start3A_135, %dma_start3A_136] : memref<1280x8xf32, #tpu.memory_space<vmem>> -> memref<128x8xf32, #tpu.memory_space<vmem>>
      %dma_start3A_138 = arith.constant 0 : i32
      %dma_start3A_139 = tpu.memref_slice %arg5[%add3A_134, %dma_start3A_138] : memref<200x128xi32, #tpu.memory_space<vmem>> -> memref<1x128xi32, #tpu.memory_space<vmem>>
      %dma_start3A_140 = tpu.memref_squeeze %dma_start3A_139 : memref<1x128xi32, #tpu.memory_space<vmem>> -> memref<128xi32, #tpu.memory_space<vmem>>
      %dma_start3A_141 = arith.constant 0 : i32
      %dma_start3A_142 = arith.constant 0 : i32
      %dma_start3A_143 = tpu.memref_slice %arg2[%dma_start3A_141, %dma_start3A_142] : memref<1048576x8xf32, #tpu.memory_space<hbm>> -> memref<1048576x8xf32, #tpu.memory_space<hbm>>
      tpu.enqueue_indirect_dma source(%dma_start3A_143 : memref<1048576x8xf32, #tpu.memory_space<hbm>>) target(%dma_start3A_137 : memref<128x8xf32, #tpu.memory_space<vmem>>) offsets(%dma_start3A_140 : memref<128xi32, #tpu.memory_space<vmem>>) semaphore(%arg8 : memref<!tpu.dma_semaphore, #tpu.memory_space<semaphore_mem>>)
      %mul3A_144 = arith.constant 2 : i32
      %mul3A_145 = arith.muli %scan3A_10, %mul3A_144 : i32
      %add3A_146 = arith.constant 1 : i32
      %add3A_147 = arith.addi %mul3A_145, %add3A_146 : i32
      %mul3A_148 = arith.constant 10 : i32
      %mul3A_149 = arith.muli %add3A_147, %mul3A_148 : i32
      %add3A_150 = arith.constant 0 : i32
      %add3A_151 = arith.addi %mul3A_149, %add3A_150 : i32
      %dma_start3A_152 = arith.constant 0 : i32
      %dma_start3A_153 = arith.constant 0 : i32
      %dma_start3A_154 = tpu.memref_slice %arg7[%dma_start3A_152, %dma_start3A_153] : memref<1280x8xf32, #tpu.memory_space<vmem>> -> memref<128x8xf32, #tpu.memory_space<vmem>>
      %dma_start3A_155 = arith.constant 0 : i32
      %dma_start3A_156 = tpu.memref_slice %arg5[%add3A_151, %dma_start3A_155] : memref<200x128xi32, #tpu.memory_space<vmem>> -> memref<1x128xi32, #tpu.memory_space<vmem>>
      %dma_start3A_157 = tpu.memref_squeeze %dma_start3A_156 : memref<1x128xi32, #tpu.memory_space<vmem>> -> memref<128xi32, #tpu.memory_space<vmem>>
      %dma_start3A_158 = arith.constant 0 : i32
      %dma_start3A_159 = arith.constant 0 : i32
      %dma_start3A_160 = tpu.memref_slice %arg2[%dma_start3A_158, %dma_start3A_159] : memref<1048576x8xf32, #tpu.memory_space<hbm>> -> memref<1048576x8xf32, #tpu.memory_space<hbm>>
      tpu.enqueue_indirect_dma source(%dma_start3A_160 : memref<1048576x8xf32, #tpu.memory_space<hbm>>) target(%dma_start3A_154 : memref<128x8xf32, #tpu.memory_space<vmem>>) offsets(%dma_start3A_157 : memref<128xi32, #tpu.memory_space<vmem>>) semaphore(%arg9 : memref<!tpu.dma_semaphore, #tpu.memory_space<semaphore_mem>>)
      %mul3A_161 = arith.constant 10 : i32
      %mul3A_162 = arith.muli %add3A_147, %mul3A_161 : i32
      %add3A_163 = arith.constant 1 : i32
      %add3A_164 = arith.addi %mul3A_162, %add3A_163 : i32
      %dma_start3A_165 = arith.constant 128 : i32
      %dma_start3A_166 = arith.constant 0 : i32
      %dma_start3A_167 = tpu.memref_slice %arg7[%dma_start3A_165, %dma_start3A_166] : memref<1280x8xf32, #tpu.memory_space<vmem>> -> memref<128x8xf32, #tpu.memory_space<vmem>>
      %dma_start3A_168 = arith.constant 0 : i32
      %dma_start3A_169 = tpu.memref_slice %arg5[%add3A_164, %dma_start3A_168] : memref<200x128xi32, #tpu.memory_space<vmem>> -> memref<1x128xi32, #tpu.memory_space<vmem>>
      %dma_start3A_170 = tpu.memref_squeeze %dma_start3A_169 : memref<1x128xi32, #tpu.memory_space<vmem>> -> memref<128xi32, #tpu.memory_space<vmem>>
      %dma_start3A_171 = arith.constant 0 : i32
      %dma_start3A_172 = arith.constant 0 : i32
      %dma_start3A_173 = tpu.memref_slice %arg2[%dma_start3A_171, %dma_start3A_172] : memref<1048576x8xf32, #tpu.memory_space<hbm>> -> memref<1048576x8xf32, #tpu.memory_space<hbm>>
      tpu.enqueue_indirect_dma source(%dma_start3A_173 : memref<1048576x8xf32, #tpu.memory_space<hbm>>) target(%dma_start3A_167 : memref<128x8xf32, #tpu.memory_space<vmem>>) offsets(%dma_start3A_170 : memref<128xi32, #tpu.memory_space<vmem>>) semaphore(%arg9 : memref<!tpu.dma_semaphore, #tpu.memory_space<semaphore_mem>>)
      %mul3A_174 = arith.constant 10 : i32
      %mul3A_175 = arith.muli %add3A_147, %mul3A_174 : i32
      %add3A_176 = arith.constant 2 : i32
      %add3A_177 = arith.addi %mul3A_175, %add3A_176 : i32
      %dma_start3A_178 = arith.constant 256 : i32
      %dma_start3A_179 = arith.constant 0 : i32
      %dma_start3A_180 = tpu.memref_slice %arg7[%dma_start3A_178, %dma_start3A_179] : memref<1280x8xf32, #tpu.memory_space<vmem>> -> memref<128x8xf32, #tpu.memory_space<vmem>>
      %dma_start3A_181 = arith.constant 0 : i32
      %dma_start3A_182 = tpu.memref_slice %arg5[%add3A_177, %dma_start3A_181] : memref<200x128xi32, #tpu.memory_space<vmem>> -> memref<1x128xi32, #tpu.memory_space<vmem>>
      %dma_start3A_183 = tpu.memref_squeeze %dma_start3A_182 : memref<1x128xi32, #tpu.memory_space<vmem>> -> memref<128xi32, #tpu.memory_space<vmem>>
      %dma_start3A_184 = arith.constant 0 : i32
      %dma_start3A_185 = arith.constant 0 : i32
      %dma_start3A_186 = tpu.memref_slice %arg2[%dma_start3A_184, %dma_start3A_185] : memref<1048576x8xf32, #tpu.memory_space<hbm>> -> memref<1048576x8xf32, #tpu.memory_space<hbm>>
      tpu.enqueue_indirect_dma source(%dma_start3A_186 : memref<1048576x8xf32, #tpu.memory_space<hbm>>) target(%dma_start3A_180 : memref<128x8xf32, #tpu.memory_space<vmem>>) offsets(%dma_start3A_183 : memref<128xi32, #tpu.memory_space<vmem>>) semaphore(%arg9 : memref<!tpu.dma_semaphore, #tpu.memory_space<semaphore_mem>>)
      %mul3A_187 = arith.constant 10 : i32
      %mul3A_188 = arith.muli %add3A_147, %mul3A_187 : i32
      %add3A_189 = arith.constant 3 : i32
      %add3A_190 = arith.addi %mul3A_188, %add3A_189 : i32
      %dma_start3A_191 = arith.constant 384 : i32
      %dma_start3A_192 = arith.constant 0 : i32
      %dma_start3A_193 = tpu.memref_slice %arg7[%dma_start3A_191, %dma_start3A_192] : memref<1280x8xf32, #tpu.memory_space<vmem>> -> memref<128x8xf32, #tpu.memory_space<vmem>>
      %dma_start3A_194 = arith.constant 0 : i32
      %dma_start3A_195 = tpu.memref_slice %arg5[%add3A_190, %dma_start3A_194] : memref<200x128xi32, #tpu.memory_space<vmem>> -> memref<1x128xi32, #tpu.memory_space<vmem>>
      %dma_start3A_196 = tpu.memref_squeeze %dma_start3A_195 : memref<1x128xi32, #tpu.memory_space<vmem>> -> memref<128xi32, #tpu.memory_space<vmem>>
      %dma_start3A_197 = arith.constant 0 : i32
      %dma_start3A_198 = arith.constant 0 : i32
      %dma_start3A_199 = tpu.memref_slice %arg2[%dma_start3A_197, %dma_start3A_198] : memref<1048576x8xf32, #tpu.memory_space<hbm>> -> memref<1048576x8xf32, #tpu.memory_space<hbm>>
      tpu.enqueue_indirect_dma source(%dma_start3A_199 : memref<1048576x8xf32, #tpu.memory_space<hbm>>) target(%dma_start3A_193 : memref<128x8xf32, #tpu.memory_space<vmem>>) offsets(%dma_start3A_196 : memref<128xi32, #tpu.memory_space<vmem>>) semaphore(%arg9 : memref<!tpu.dma_semaphore, #tpu.memory_space<semaphore_mem>>)
      %mul3A_200 = arith.constant 10 : i32
      %mul3A_201 = arith.muli %add3A_147, %mul3A_200 : i32
      %add3A_202 = arith.constant 4 : i32
      %add3A_203 = arith.addi %mul3A_201, %add3A_202 : i32
      %dma_start3A_204 = arith.constant 512 : i32
      %dma_start3A_205 = arith.constant 0 : i32
      %dma_start3A_206 = tpu.memref_slice %arg7[%dma_start3A_204, %dma_start3A_205] : memref<1280x8xf32, #tpu.memory_space<vmem>> -> memref<128x8xf32, #tpu.memory_space<vmem>>
      %dma_start3A_207 = arith.constant 0 : i32
      %dma_start3A_208 = tpu.memref_slice %arg5[%add3A_203, %dma_start3A_207] : memref<200x128xi32, #tpu.memory_space<vmem>> -> memref<1x128xi32, #tpu.memory_space<vmem>>
      %dma_start3A_209 = tpu.memref_squeeze %dma_start3A_208 : memref<1x128xi32, #tpu.memory_space<vmem>> -> memref<128xi32, #tpu.memory_space<vmem>>
      %dma_start3A_210 = arith.constant 0 : i32
      %dma_start3A_211 = arith.constant 0 : i32
      %dma_start3A_212 = tpu.memref_slice %arg2[%dma_start3A_210, %dma_start3A_211] : memref<1048576x8xf32, #tpu.memory_space<hbm>> -> memref<1048576x8xf32, #tpu.memory_space<hbm>>
      tpu.enqueue_indirect_dma source(%dma_start3A_212 : memref<1048576x8xf32, #tpu.memory_space<hbm>>) target(%dma_start3A_206 : memref<128x8xf32, #tpu.memory_space<vmem>>) offsets(%dma_start3A_209 : memref<128xi32, #tpu.memory_space<vmem>>) semaphore(%arg9 : memref<!tpu.dma_semaphore, #tpu.memory_space<semaphore_mem>>)
      %mul3A_213 = arith.constant 10 : i32
      %mul3A_214 = arith.muli %add3A_147, %mul3A_213 : i32
      %add3A_215 = arith.constant 5 : i32
      %add3A_216 = arith.addi %mul3A_214, %add3A_215 : i32
      %dma_start3A_217 = arith.constant 640 : i32
      %dma_start3A_218 = arith.constant 0 : i32
      %dma_start3A_219 = tpu.memref_slice %arg7[%dma_start3A_217, %dma_start3A_218] : memref<1280x8xf32, #tpu.memory_space<vmem>> -> memref<128x8xf32, #tpu.memory_space<vmem>>
      %dma_start3A_220 = arith.constant 0 : i32
      %dma_start3A_221 = tpu.memref_slice %arg5[%add3A_216, %dma_start3A_220] : memref<200x128xi32, #tpu.memory_space<vmem>> -> memref<1x128xi32, #tpu.memory_space<vmem>>
      %dma_start3A_222 = tpu.memref_squeeze %dma_start3A_221 : memref<1x128xi32, #tpu.memory_space<vmem>> -> memref<128xi32, #tpu.memory_space<vmem>>
      %dma_start3A_223 = arith.constant 0 : i32
      %dma_start3A_224 = arith.constant 0 : i32
      %dma_start3A_225 = tpu.memref_slice %arg2[%dma_start3A_223, %dma_start3A_224] : memref<1048576x8xf32, #tpu.memory_space<hbm>> -> memref<1048576x8xf32, #tpu.memory_space<hbm>>
      tpu.enqueue_indirect_dma source(%dma_start3A_225 : memref<1048576x8xf32, #tpu.memory_space<hbm>>) target(%dma_start3A_219 : memref<128x8xf32, #tpu.memory_space<vmem>>) offsets(%dma_start3A_222 : memref<128xi32, #tpu.memory_space<vmem>>) semaphore(%arg9 : memref<!tpu.dma_semaphore, #tpu.memory_space<semaphore_mem>>)
      %mul3A_226 = arith.constant 10 : i32
      %mul3A_227 = arith.muli %add3A_147, %mul3A_226 : i32
      %add3A_228 = arith.constant 6 : i32
      %add3A_229 = arith.addi %mul3A_227, %add3A_228 : i32
      %dma_start3A_230 = arith.constant 768 : i32
      %dma_start3A_231 = arith.constant 0 : i32
      %dma_start3A_232 = tpu.memref_slice %arg7[%dma_start3A_230, %dma_start3A_231] : memref<1280x8xf32, #tpu.memory_space<vmem>> -> memref<128x8xf32, #tpu.memory_space<vmem>>
      %dma_start3A_233 = arith.constant 0 : i32
      %dma_start3A_234 = tpu.memref_slice %arg5[%add3A_229, %dma_start3A_233] : memref<200x128xi32, #tpu.memory_space<vmem>> -> memref<1x128xi32, #tpu.memory_space<vmem>>
      %dma_start3A_235 = tpu.memref_squeeze %dma_start3A_234 : memref<1x128xi32, #tpu.memory_space<vmem>> -> memref<128xi32, #tpu.memory_space<vmem>>
      %dma_start3A_236 = arith.constant 0 : i32
      %dma_start3A_237 = arith.constant 0 : i32
      %dma_start3A_238 = tpu.memref_slice %arg2[%dma_start3A_236, %dma_start3A_237] : memref<1048576x8xf32, #tpu.memory_space<hbm>> -> memref<1048576x8xf32, #tpu.memory_space<hbm>>
      tpu.enqueue_indirect_dma source(%dma_start3A_238 : memref<1048576x8xf32, #tpu.memory_space<hbm>>) target(%dma_start3A_232 : memref<128x8xf32, #tpu.memory_space<vmem>>) offsets(%dma_start3A_235 : memref<128xi32, #tpu.memory_space<vmem>>) semaphore(%arg9 : memref<!tpu.dma_semaphore, #tpu.memory_space<semaphore_mem>>)
      %mul3A_239 = arith.constant 10 : i32
      %mul3A_240 = arith.muli %add3A_147, %mul3A_239 : i32
      %add3A_241 = arith.constant 7 : i32
      %add3A_242 = arith.addi %mul3A_240, %add3A_241 : i32
      %dma_start3A_243 = arith.constant 896 : i32
      %dma_start3A_244 = arith.constant 0 : i32
      %dma_start3A_245 = tpu.memref_slice %arg7[%dma_start3A_243, %dma_start3A_244] : memref<1280x8xf32, #tpu.memory_space<vmem>> -> memref<128x8xf32, #tpu.memory_space<vmem>>
      %dma_start3A_246 = arith.constant 0 : i32
      %dma_start3A_247 = tpu.memref_slice %arg5[%add3A_242, %dma_start3A_246] : memref<200x128xi32, #tpu.memory_space<vmem>> -> memref<1x128xi32, #tpu.memory_space<vmem>>
      %dma_start3A_248 = tpu.memref_squeeze %dma_start3A_247 : memref<1x128xi32, #tpu.memory_space<vmem>> -> memref<128xi32, #tpu.memory_space<vmem>>
      %dma_start3A_249 = arith.constant 0 : i32
      %dma_start3A_250 = arith.constant 0 : i32
      %dma_start3A_251 = tpu.memref_slice %arg2[%dma_start3A_249, %dma_start3A_250] : memref<1048576x8xf32, #tpu.memory_space<hbm>> -> memref<1048576x8xf32, #tpu.memory_space<hbm>>
      tpu.enqueue_indirect_dma source(%dma_start3A_251 : memref<1048576x8xf32, #tpu.memory_space<hbm>>) target(%dma_start3A_245 : memref<128x8xf32, #tpu.memory_space<vmem>>) offsets(%dma_start3A_248 : memref<128xi32, #tpu.memory_space<vmem>>) semaphore(%arg9 : memref<!tpu.dma_semaphore, #tpu.memory_space<semaphore_mem>>)
      %mul3A_252 = arith.constant 10 : i32
      %mul3A_253 = arith.muli %add3A_147, %mul3A_252 : i32
      %add3A_254 = arith.constant 8 : i32
      %add3A_255 = arith.addi %mul3A_253, %add3A_254 : i32
      %dma_start3A_256 = arith.constant 1024 : i32
      %dma_start3A_257 = arith.constant 0 : i32
      %dma_start3A_258 = tpu.memref_slice %arg7[%dma_start3A_256, %dma_start3A_257] : memref<1280x8xf32, #tpu.memory_space<vmem>> -> memref<128x8xf32, #tpu.memory_space<vmem>>
      %dma_start3A_259 = arith.constant 0 : i32
      %dma_start3A_260 = tpu.memref_slice %arg5[%add3A_255, %dma_start3A_259] : memref<200x128xi32, #tpu.memory_space<vmem>> -> memref<1x128xi32, #tpu.memory_space<vmem>>
      %dma_start3A_261 = tpu.memref_squeeze %dma_start3A_260 : memref<1x128xi32, #tpu.memory_space<vmem>> -> memref<128xi32, #tpu.memory_space<vmem>>
      %dma_start3A_262 = arith.constant 0 : i32
      %dma_start3A_263 = arith.constant 0 : i32
      %dma_start3A_264 = tpu.memref_slice %arg2[%dma_start3A_262, %dma_start3A_263] : memref<1048576x8xf32, #tpu.memory_space<hbm>> -> memref<1048576x8xf32, #tpu.memory_space<hbm>>
      tpu.enqueue_indirect_dma source(%dma_start3A_264 : memref<1048576x8xf32, #tpu.memory_space<hbm>>) target(%dma_start3A_258 : memref<128x8xf32, #tpu.memory_space<vmem>>) offsets(%dma_start3A_261 : memref<128xi32, #tpu.memory_space<vmem>>) semaphore(%arg9 : memref<!tpu.dma_semaphore, #tpu.memory_space<semaphore_mem>>)
      %mul3A_265 = arith.constant 10 : i32
      %mul3A_266 = arith.muli %add3A_147, %mul3A_265 : i32
      %add3A_267 = arith.constant 9 : i32
      %add3A_268 = arith.addi %mul3A_266, %add3A_267 : i32
      %dma_start3A_269 = arith.constant 1152 : i32
      %dma_start3A_270 = arith.constant 0 : i32
      %dma_start3A_271 = tpu.memref_slice %arg7[%dma_start3A_269, %dma_start3A_270] : memref<1280x8xf32, #tpu.memory_space<vmem>> -> memref<128x8xf32, #tpu.memory_space<vmem>>
      %dma_start3A_272 = arith.constant 0 : i32
      %dma_start3A_273 = tpu.memref_slice %arg5[%add3A_268, %dma_start3A_272] : memref<200x128xi32, #tpu.memory_space<vmem>> -> memref<1x128xi32, #tpu.memory_space<vmem>>
      %dma_start3A_274 = tpu.memref_squeeze %dma_start3A_273 : memref<1x128xi32, #tpu.memory_space<vmem>> -> memref<128xi32, #tpu.memory_space<vmem>>
      %dma_start3A_275 = arith.constant 0 : i32
      %dma_start3A_276 = arith.constant 0 : i32
      %dma_start3A_277 = tpu.memref_slice %arg2[%dma_start3A_275, %dma_start3A_276] : memref<1048576x8xf32, #tpu.memory_space<hbm>> -> memref<1048576x8xf32, #tpu.memory_space<hbm>>
      tpu.enqueue_indirect_dma source(%dma_start3A_277 : memref<1048576x8xf32, #tpu.memory_space<hbm>>) target(%dma_start3A_271 : memref<128x8xf32, #tpu.memory_space<vmem>>) offsets(%dma_start3A_274 : memref<128xi32, #tpu.memory_space<vmem>>) semaphore(%arg9 : memref<!tpu.dma_semaphore, #tpu.memory_space<semaphore_mem>>)
      %mul3A_278 = arith.constant 2 : i32
      %mul3A_279 = arith.muli %scan3A_10, %mul3A_278 : i32
      %add3A_280 = arith.constant 0 : i32
      %add3A_281 = arith.addi %mul3A_279, %add3A_280 : i32
      %dma_wait3A = arith.constant 0 : i32
      %dma_wait3A_282 = arith.constant 0 : i32
      %dma_wait3A_283 = tpu.memref_slice %arg6[%dma_wait3A, %dma_wait3A_282] : memref<1280x8xf32, #tpu.memory_space<vmem>> -> memref<128x8xf32, #tpu.memory_space<vmem>>
      %dma_wait3A_284 = arith.constant 0 : i32
      %dma_wait3A_285 = tpu.memref_slice %arg5[%add3A_18, %dma_wait3A_284] : memref<200x128xi32, #tpu.memory_space<vmem>> -> memref<1x128xi32, #tpu.memory_space<vmem>>
      %dma_wait3A_286 = tpu.memref_squeeze %dma_wait3A_285 : memref<1x128xi32, #tpu.memory_space<vmem>> -> memref<128xi32, #tpu.memory_space<vmem>>
      %dma_wait3A_287 = arith.constant 0 : i32
      %dma_wait3A_288 = arith.constant 0 : i32
      %dma_wait3A_289 = tpu.memref_slice %arg2[%dma_wait3A_287, %dma_wait3A_288] : memref<1048576x8xf32, #tpu.memory_space<hbm>> -> memref<1048576x8xf32, #tpu.memory_space<hbm>>
      tpu.wait_indirect_dma semaphore(%arg8 : memref<!tpu.dma_semaphore, #tpu.memory_space<semaphore_mem>>) src(%dma_wait3A_289 : memref<1048576x8xf32, #tpu.memory_space<hbm>>) dst(%dma_wait3A_283 : memref<128x8xf32, #tpu.memory_space<vmem>>)
      %dma_wait3A_290 = arith.constant 128 : i32
      %dma_wait3A_291 = arith.constant 0 : i32
      %dma_wait3A_292 = tpu.memref_slice %arg6[%dma_wait3A_290, %dma_wait3A_291] : memref<1280x8xf32, #tpu.memory_space<vmem>> -> memref<128x8xf32, #tpu.memory_space<vmem>>
      %dma_wait3A_293 = arith.constant 0 : i32
      %dma_wait3A_294 = tpu.memref_slice %arg5[%add3A_30, %dma_wait3A_293] : memref<200x128xi32, #tpu.memory_space<vmem>> -> memref<1x128xi32, #tpu.memory_space<vmem>>
      %dma_wait3A_295 = tpu.memref_squeeze %dma_wait3A_294 : memref<1x128xi32, #tpu.memory_space<vmem>> -> memref<128xi32, #tpu.memory_space<vmem>>
      %dma_wait3A_296 = arith.constant 0 : i32
      %dma_wait3A_297 = arith.constant 0 : i32
      %dma_wait3A_298 = tpu.memref_slice %arg2[%dma_wait3A_296, %dma_wait3A_297] : memref<1048576x8xf32, #tpu.memory_space<hbm>> -> memref<1048576x8xf32, #tpu.memory_space<hbm>>
      tpu.wait_indirect_dma semaphore(%arg8 : memref<!tpu.dma_semaphore, #tpu.memory_space<semaphore_mem>>) src(%dma_wait3A_298 : memref<1048576x8xf32, #tpu.memory_space<hbm>>) dst(%dma_wait3A_292 : memref<128x8xf32, #tpu.memory_space<vmem>>)
      %dma_wait3A_299 = arith.constant 256 : i32
      %dma_wait3A_300 = arith.constant 0 : i32
      %dma_wait3A_301 = tpu.memref_slice %arg6[%dma_wait3A_299, %dma_wait3A_300] : memref<1280x8xf32, #tpu.memory_space<vmem>> -> memref<128x8xf32, #tpu.memory_space<vmem>>
      %dma_wait3A_302 = arith.constant 0 : i32
      %dma_wait3A_303 = tpu.memref_slice %arg5[%add3A_43, %dma_wait3A_302] : memref<200x128xi32, #tpu.memory_space<vmem>> -> memref<1x128xi32, #tpu.memory_space<vmem>>
      %dma_wait3A_304 = tpu.memref_squeeze %dma_wait3A_303 : memref<1x128xi32, #tpu.memory_space<vmem>> -> memref<128xi32, #tpu.memory_space<vmem>>
      %dma_wait3A_305 = arith.constant 0 : i32
      %dma_wait3A_306 = arith.constant 0 : i32
      %dma_wait3A_307 = tpu.memref_slice %arg2[%dma_wait3A_305, %dma_wait3A_306] : memref<1048576x8xf32, #tpu.memory_space<hbm>> -> memref<1048576x8xf32, #tpu.memory_space<hbm>>
      tpu.wait_indirect_dma semaphore(%arg8 : memref<!tpu.dma_semaphore, #tpu.memory_space<semaphore_mem>>) src(%dma_wait3A_307 : memref<1048576x8xf32, #tpu.memory_space<hbm>>) dst(%dma_wait3A_301 : memref<128x8xf32, #tpu.memory_space<vmem>>)
      %dma_wait3A_308 = arith.constant 384 : i32
      %dma_wait3A_309 = arith.constant 0 : i32
      %dma_wait3A_310 = tpu.memref_slice %arg6[%dma_wait3A_308, %dma_wait3A_309] : memref<1280x8xf32, #tpu.memory_space<vmem>> -> memref<128x8xf32, #tpu.memory_space<vmem>>
      %dma_wait3A_311 = arith.constant 0 : i32
      %dma_wait3A_312 = tpu.memref_slice %arg5[%add3A_56, %dma_wait3A_311] : memref<200x128xi32, #tpu.memory_space<vmem>> -> memref<1x128xi32, #tpu.memory_space<vmem>>
      %dma_wait3A_313 = tpu.memref_squeeze %dma_wait3A_312 : memref<1x128xi32, #tpu.memory_space<vmem>> -> memref<128xi32, #tpu.memory_space<vmem>>
      %dma_wait3A_314 = arith.constant 0 : i32
      %dma_wait3A_315 = arith.constant 0 : i32
      %dma_wait3A_316 = tpu.memref_slice %arg2[%dma_wait3A_314, %dma_wait3A_315] : memref<1048576x8xf32, #tpu.memory_space<hbm>> -> memref<1048576x8xf32, #tpu.memory_space<hbm>>
      tpu.wait_indirect_dma semaphore(%arg8 : memref<!tpu.dma_semaphore, #tpu.memory_space<semaphore_mem>>) src(%dma_wait3A_316 : memref<1048576x8xf32, #tpu.memory_space<hbm>>) dst(%dma_wait3A_310 : memref<128x8xf32, #tpu.memory_space<vmem>>)
      %dma_wait3A_317 = arith.constant 512 : i32
      %dma_wait3A_318 = arith.constant 0 : i32
      %dma_wait3A_319 = tpu.memref_slice %arg6[%dma_wait3A_317, %dma_wait3A_318] : memref<1280x8xf32, #tpu.memory_space<vmem>> -> memref<128x8xf32, #tpu.memory_space<vmem>>
      %dma_wait3A_320 = arith.constant 0 : i32
      %dma_wait3A_321 = tpu.memref_slice %arg5[%add3A_69, %dma_wait3A_320] : memref<200x128xi32, #tpu.memory_space<vmem>> -> memref<1x128xi32, #tpu.memory_space<vmem>>
      %dma_wait3A_322 = tpu.memref_squeeze %dma_wait3A_321 : memref<1x128xi32, #tpu.memory_space<vmem>> -> memref<128xi32, #tpu.memory_space<vmem>>
      %dma_wait3A_323 = arith.constant 0 : i32
      %dma_wait3A_324 = arith.constant 0 : i32
      %dma_wait3A_325 = tpu.memref_slice %arg2[%dma_wait3A_323, %dma_wait3A_324] : memref<1048576x8xf32, #tpu.memory_space<hbm>> -> memref<1048576x8xf32, #tpu.memory_space<hbm>>
      tpu.wait_indirect_dma semaphore(%arg8 : memref<!tpu.dma_semaphore, #tpu.memory_space<semaphore_mem>>) src(%dma_wait3A_325 : memref<1048576x8xf32, #tpu.memory_space<hbm>>) dst(%dma_wait3A_319 : memref<128x8xf32, #tpu.memory_space<vmem>>)
      %dma_wait3A_326 = arith.constant 640 : i32
      %dma_wait3A_327 = arith.constant 0 : i32
      %dma_wait3A_328 = tpu.memref_slice %arg6[%dma_wait3A_326, %dma_wait3A_327] : memref<1280x8xf32, #tpu.memory_space<vmem>> -> memref<128x8xf32, #tpu.memory_space<vmem>>
      %dma_wait3A_329 = arith.constant 0 : i32
      %dma_wait3A_330 = tpu.memref_slice %arg5[%add3A_82, %dma_wait3A_329] : memref<200x128xi32, #tpu.memory_space<vmem>> -> memref<1x128xi32, #tpu.memory_space<vmem>>
      %dma_wait3A_331 = tpu.memref_squeeze %dma_wait3A_330 : memref<1x128xi32, #tpu.memory_space<vmem>> -> memref<128xi32, #tpu.memory_space<vmem>>
      %dma_wait3A_332 = arith.constant 0 : i32
      %dma_wait3A_333 = arith.constant 0 : i32
      %dma_wait3A_334 = tpu.memref_slice %arg2[%dma_wait3A_332, %dma_wait3A_333] : memref<1048576x8xf32, #tpu.memory_space<hbm>> -> memref<1048576x8xf32, #tpu.memory_space<hbm>>
      tpu.wait_indirect_dma semaphore(%arg8 : memref<!tpu.dma_semaphore, #tpu.memory_space<semaphore_mem>>) src(%dma_wait3A_334 : memref<1048576x8xf32, #tpu.memory_space<hbm>>) dst(%dma_wait3A_328 : memref<128x8xf32, #tpu.memory_space<vmem>>)
      %dma_wait3A_335 = arith.constant 768 : i32
      %dma_wait3A_336 = arith.constant 0 : i32
      %dma_wait3A_337 = tpu.memref_slice %arg6[%dma_wait3A_335, %dma_wait3A_336] : memref<1280x8xf32, #tpu.memory_space<vmem>> -> memref<128x8xf32, #tpu.memory_space<vmem>>
      %dma_wait3A_338 = arith.constant 0 : i32
      %dma_wait3A_339 = tpu.memref_slice %arg5[%add3A_95, %dma_wait3A_338] : memref<200x128xi32, #tpu.memory_space<vmem>> -> memref<1x128xi32, #tpu.memory_space<vmem>>
      %dma_wait3A_340 = tpu.memref_squeeze %dma_wait3A_339 : memref<1x128xi32, #tpu.memory_space<vmem>> -> memref<128xi32, #tpu.memory_space<vmem>>
      %dma_wait3A_341 = arith.constant 0 : i32
      %dma_wait3A_342 = arith.constant 0 : i32
      %dma_wait3A_343 = tpu.memref_slice %arg2[%dma_wait3A_341, %dma_wait3A_342] : memref<1048576x8xf32, #tpu.memory_space<hbm>> -> memref<1048576x8xf32, #tpu.memory_space<hbm>>
      tpu.wait_indirect_dma semaphore(%arg8 : memref<!tpu.dma_semaphore, #tpu.memory_space<semaphore_mem>>) src(%dma_wait3A_343 : memref<1048576x8xf32, #tpu.memory_space<hbm>>) dst(%dma_wait3A_337 : memref<128x8xf32, #tpu.memory_space<vmem>>)
      %dma_wait3A_344 = arith.constant 896 : i32
      %dma_wait3A_345 = arith.constant 0 : i32
      %dma_wait3A_346 = tpu.memref_slice %arg6[%dma_wait3A_344, %dma_wait3A_345] : memref<1280x8xf32, #tpu.memory_space<vmem>> -> memref<128x8xf32, #tpu.memory_space<vmem>>
      %dma_wait3A_347 = arith.constant 0 : i32
      %dma_wait3A_348 = tpu.memref_slice %arg5[%add3A_108, %dma_wait3A_347] : memref<200x128xi32, #tpu.memory_space<vmem>> -> memref<1x128xi32, #tpu.memory_space<vmem>>
      %dma_wait3A_349 = tpu.memref_squeeze %dma_wait3A_348 : memref<1x128xi32, #tpu.memory_space<vmem>> -> memref<128xi32, #tpu.memory_space<vmem>>
      %dma_wait3A_350 = arith.constant 0 : i32
      %dma_wait3A_351 = arith.constant 0 : i32
      %dma_wait3A_352 = tpu.memref_slice %arg2[%dma_wait3A_350, %dma_wait3A_351] : memref<1048576x8xf32, #tpu.memory_space<hbm>> -> memref<1048576x8xf32, #tpu.memory_space<hbm>>
      tpu.wait_indirect_dma semaphore(%arg8 : memref<!tpu.dma_semaphore, #tpu.memory_space<semaphore_mem>>) src(%dma_wait3A_352 : memref<1048576x8xf32, #tpu.memory_space<hbm>>) dst(%dma_wait3A_346 : memref<128x8xf32, #tpu.memory_space<vmem>>)
      %dma_wait3A_353 = arith.constant 1024 : i32
      %dma_wait3A_354 = arith.constant 0 : i32
      %dma_wait3A_355 = tpu.memref_slice %arg6[%dma_wait3A_353, %dma_wait3A_354] : memref<1280x8xf32, #tpu.memory_space<vmem>> -> memref<128x8xf32, #tpu.memory_space<vmem>>
      %dma_wait3A_356 = arith.constant 0 : i32
      %dma_wait3A_357 = tpu.memref_slice %arg5[%add3A_121, %dma_wait3A_356] : memref<200x128xi32, #tpu.memory_space<vmem>> -> memref<1x128xi32, #tpu.memory_space<vmem>>
      %dma_wait3A_358 = tpu.memref_squeeze %dma_wait3A_357 : memref<1x128xi32, #tpu.memory_space<vmem>> -> memref<128xi32, #tpu.memory_space<vmem>>
      %dma_wait3A_359 = arith.constant 0 : i32
      %dma_wait3A_360 = arith.constant 0 : i32
      %dma_wait3A_361 = tpu.memref_slice %arg2[%dma_wait3A_359, %dma_wait3A_360] : memref<1048576x8xf32, #tpu.memory_space<hbm>> -> memref<1048576x8xf32, #tpu.memory_space<hbm>>
      tpu.wait_indirect_dma semaphore(%arg8 : memref<!tpu.dma_semaphore, #tpu.memory_space<semaphore_mem>>) src(%dma_wait3A_361 : memref<1048576x8xf32, #tpu.memory_space<hbm>>) dst(%dma_wait3A_355 : memref<128x8xf32, #tpu.memory_space<vmem>>)
      %dma_wait3A_362 = arith.constant 1152 : i32
      %dma_wait3A_363 = arith.constant 0 : i32
      %dma_wait3A_364 = tpu.memref_slice %arg6[%dma_wait3A_362, %dma_wait3A_363] : memref<1280x8xf32, #tpu.memory_space<vmem>> -> memref<128x8xf32, #tpu.memory_space<vmem>>
      %dma_wait3A_365 = arith.constant 0 : i32
      %dma_wait3A_366 = tpu.memref_slice %arg5[%add3A_134, %dma_wait3A_365] : memref<200x128xi32, #tpu.memory_space<vmem>> -> memref<1x128xi32, #tpu.memory_space<vmem>>
      %dma_wait3A_367 = tpu.memref_squeeze %dma_wait3A_366 : memref<1x128xi32, #tpu.memory_space<vmem>> -> memref<128xi32, #tpu.memory_space<vmem>>
      %dma_wait3A_368 = arith.constant 0 : i32
      %dma_wait3A_369 = arith.constant 0 : i32
      %dma_wait3A_370 = tpu.memref_slice %arg2[%dma_wait3A_368, %dma_wait3A_369] : memref<1048576x8xf32, #tpu.memory_space<hbm>> -> memref<1048576x8xf32, #tpu.memory_space<hbm>>
      tpu.wait_indirect_dma semaphore(%arg8 : memref<!tpu.dma_semaphore, #tpu.memory_space<semaphore_mem>>) src(%dma_wait3A_370 : memref<1048576x8xf32, #tpu.memory_space<hbm>>) dst(%dma_wait3A_364 : memref<128x8xf32, #tpu.memory_space<vmem>>)
      %mul3A_371 = arith.constant 10 : i32
      %mul3A_372 = arith.muli %add3A_281, %mul3A_371 : i32
      %mul3A_373 = arith.constant 128 : i32
      %mul3A_374 = arith.muli %mul3A_372, %mul3A_373 : i32
      %add3A_375 = arith.addi %mul3A_2, %mul3A_374 : i32
      "tpu.region"() ({
        %run_scoped3A = tpu.sem_alloc : memref<!tpu.dma_semaphore, #tpu.memory_space<semaphore_mem>>
        %dma_start3A_475 = arith.constant 0 : i32
        %dma_start3A_476 = tpu.memref_slice %arg4[%add3A_375, %dma_start3A_475] : memref<819200x8xf32, #tpu.memory_space<hbm>> -> memref<1280x8xf32, #tpu.memory_space<hbm>>
        %dma_start3A_477 = arith.constant 0 : i32
        %dma_start3A_478 = tpu.memref_slice %arg4[%add3A_375, %dma_start3A_477] : memref<819200x8xf32, #tpu.memory_space<hbm>> -> memref<1280x8xf32, #tpu.memory_space<hbm>>
        tpu.enqueue_dma source(%arg6 : memref<1280x8xf32, #tpu.memory_space<vmem>>) target(%dma_start3A_478 : memref<1280x8xf32, #tpu.memory_space<hbm>>) target_semaphore(%run_scoped3A : memref<!tpu.dma_semaphore, #tpu.memory_space<semaphore_mem>>)
        %dma_wait3A_479 = arith.constant 0 : i32
        %dma_wait3A_480 = tpu.memref_slice %arg4[%add3A_375, %dma_wait3A_479] : memref<819200x8xf32, #tpu.memory_space<hbm>> -> memref<1280x8xf32, #tpu.memory_space<hbm>>
        %dma_wait3A_481 = arith.constant 0 : i32
        %dma_wait3A_482 = tpu.memref_slice %arg4[%add3A_375, %dma_wait3A_481] : memref<819200x8xf32, #tpu.memory_space<hbm>> -> memref<1280x8xf32, #tpu.memory_space<hbm>>
        tpu.wait_dma2 semaphore(%run_scoped3A : memref<!tpu.dma_semaphore, #tpu.memory_space<semaphore_mem>>) src(%arg6 : memref<1280x8xf32, #tpu.memory_space<vmem>>) dst(%dma_wait3A_482 : memref<1280x8xf32, #tpu.memory_space<hbm>>)
        tpu.yield
      }) : () -> ()
      %mul3A_376 = arith.constant 2 : i32
      %mul3A_377 = arith.muli %scan3A_10, %mul3A_376 : i32
      %add3A_378 = arith.constant 1 : i32
      %add3A_379 = arith.addi %mul3A_377, %add3A_378 : i32
      %dma_wait3A_380 = arith.constant 0 : i32
      %dma_wait3A_381 = arith.constant 0 : i32
      %dma_wait3A_382 = tpu.memref_slice %arg7[%dma_wait3A_380, %dma_wait3A_381] : memref<1280x8xf32, #tpu.memory_space<vmem>> -> memref<128x8xf32, #tpu.memory_space<vmem>>
      %dma_wait3A_383 = arith.constant 0 : i32
      %dma_wait3A_384 = tpu.memref_slice %arg5[%add3A_151, %dma_wait3A_383] : memref<200x128xi32, #tpu.memory_space<vmem>> -> memref<1x128xi32, #tpu.memory_space<vmem>>
      %dma_wait3A_385 = tpu.memref_squeeze %dma_wait3A_384 : memref<1x128xi32, #tpu.memory_space<vmem>> -> memref<128xi32, #tpu.memory_space<vmem>>
      %dma_wait3A_386 = arith.constant 0 : i32
      %dma_wait3A_387 = arith.constant 0 : i32
      %dma_wait3A_388 = tpu.memref_slice %arg2[%dma_wait3A_386, %dma_wait3A_387] : memref<1048576x8xf32, #tpu.memory_space<hbm>> -> memref<1048576x8xf32, #tpu.memory_space<hbm>>
      tpu.wait_indirect_dma semaphore(%arg9 : memref<!tpu.dma_semaphore, #tpu.memory_space<semaphore_mem>>) src(%dma_wait3A_388 : memref<1048576x8xf32, #tpu.memory_space<hbm>>) dst(%dma_wait3A_382 : memref<128x8xf32, #tpu.memory_space<vmem>>)
      %dma_wait3A_389 = arith.constant 128 : i32
      %dma_wait3A_390 = arith.constant 0 : i32
      %dma_wait3A_391 = tpu.memref_slice %arg7[%dma_wait3A_389, %dma_wait3A_390] : memref<1280x8xf32, #tpu.memory_space<vmem>> -> memref<128x8xf32, #tpu.memory_space<vmem>>
      %dma_wait3A_392 = arith.constant 0 : i32
      %dma_wait3A_393 = tpu.memref_slice %arg5[%add3A_164, %dma_wait3A_392] : memref<200x128xi32, #tpu.memory_space<vmem>> -> memref<1x128xi32, #tpu.memory_space<vmem>>
      %dma_wait3A_394 = tpu.memref_squeeze %dma_wait3A_393 : memref<1x128xi32, #tpu.memory_space<vmem>> -> memref<128xi32, #tpu.memory_space<vmem>>
      %dma_wait3A_395 = arith.constant 0 : i32
      %dma_wait3A_396 = arith.constant 0 : i32
      %dma_wait3A_397 = tpu.memref_slice %arg2[%dma_wait3A_395, %dma_wait3A_396] : memref<1048576x8xf32, #tpu.memory_space<hbm>> -> memref<1048576x8xf32, #tpu.memory_space<hbm>>
      tpu.wait_indirect_dma semaphore(%arg9 : memref<!tpu.dma_semaphore, #tpu.memory_space<semaphore_mem>>) src(%dma_wait3A_397 : memref<1048576x8xf32, #tpu.memory_space<hbm>>) dst(%dma_wait3A_391 : memref<128x8xf32, #tpu.memory_space<vmem>>)
      %dma_wait3A_398 = arith.constant 256 : i32
      %dma_wait3A_399 = arith.constant 0 : i32
      %dma_wait3A_400 = tpu.memref_slice %arg7[%dma_wait3A_398, %dma_wait3A_399] : memref<1280x8xf32, #tpu.memory_space<vmem>> -> memref<128x8xf32, #tpu.memory_space<vmem>>
      %dma_wait3A_401 = arith.constant 0 : i32
      %dma_wait3A_402 = tpu.memref_slice %arg5[%add3A_177, %dma_wait3A_401] : memref<200x128xi32, #tpu.memory_space<vmem>> -> memref<1x128xi32, #tpu.memory_space<vmem>>
      %dma_wait3A_403 = tpu.memref_squeeze %dma_wait3A_402 : memref<1x128xi32, #tpu.memory_space<vmem>> -> memref<128xi32, #tpu.memory_space<vmem>>
      %dma_wait3A_404 = arith.constant 0 : i32
      %dma_wait3A_405 = arith.constant 0 : i32
      %dma_wait3A_406 = tpu.memref_slice %arg2[%dma_wait3A_404, %dma_wait3A_405] : memref<1048576x8xf32, #tpu.memory_space<hbm>> -> memref<1048576x8xf32, #tpu.memory_space<hbm>>
      tpu.wait_indirect_dma semaphore(%arg9 : memref<!tpu.dma_semaphore, #tpu.memory_space<semaphore_mem>>) src(%dma_wait3A_406 : memref<1048576x8xf32, #tpu.memory_space<hbm>>) dst(%dma_wait3A_400 : memref<128x8xf32, #tpu.memory_space<vmem>>)
      %dma_wait3A_407 = arith.constant 384 : i32
      %dma_wait3A_408 = arith.constant 0 : i32
      %dma_wait3A_409 = tpu.memref_slice %arg7[%dma_wait3A_407, %dma_wait3A_408] : memref<1280x8xf32, #tpu.memory_space<vmem>> -> memref<128x8xf32, #tpu.memory_space<vmem>>
      %dma_wait3A_410 = arith.constant 0 : i32
      %dma_wait3A_411 = tpu.memref_slice %arg5[%add3A_190, %dma_wait3A_410] : memref<200x128xi32, #tpu.memory_space<vmem>> -> memref<1x128xi32, #tpu.memory_space<vmem>>
      %dma_wait3A_412 = tpu.memref_squeeze %dma_wait3A_411 : memref<1x128xi32, #tpu.memory_space<vmem>> -> memref<128xi32, #tpu.memory_space<vmem>>
      %dma_wait3A_413 = arith.constant 0 : i32
      %dma_wait3A_414 = arith.constant 0 : i32
      %dma_wait3A_415 = tpu.memref_slice %arg2[%dma_wait3A_413, %dma_wait3A_414] : memref<1048576x8xf32, #tpu.memory_space<hbm>> -> memref<1048576x8xf32, #tpu.memory_space<hbm>>
      tpu.wait_indirect_dma semaphore(%arg9 : memref<!tpu.dma_semaphore, #tpu.memory_space<semaphore_mem>>) src(%dma_wait3A_415 : memref<1048576x8xf32, #tpu.memory_space<hbm>>) dst(%dma_wait3A_409 : memref<128x8xf32, #tpu.memory_space<vmem>>)
      %dma_wait3A_416 = arith.constant 512 : i32
      %dma_wait3A_417 = arith.constant 0 : i32
      %dma_wait3A_418 = tpu.memref_slice %arg7[%dma_wait3A_416, %dma_wait3A_417] : memref<1280x8xf32, #tpu.memory_space<vmem>> -> memref<128x8xf32, #tpu.memory_space<vmem>>
      %dma_wait3A_419 = arith.constant 0 : i32
      %dma_wait3A_420 = tpu.memref_slice %arg5[%add3A_203, %dma_wait3A_419] : memref<200x128xi32, #tpu.memory_space<vmem>> -> memref<1x128xi32, #tpu.memory_space<vmem>>
      %dma_wait3A_421 = tpu.memref_squeeze %dma_wait3A_420 : memref<1x128xi32, #tpu.memory_space<vmem>> -> memref<128xi32, #tpu.memory_space<vmem>>
      %dma_wait3A_422 = arith.constant 0 : i32
      %dma_wait3A_423 = arith.constant 0 : i32
      %dma_wait3A_424 = tpu.memref_slice %arg2[%dma_wait3A_422, %dma_wait3A_423] : memref<1048576x8xf32, #tpu.memory_space<hbm>> -> memref<1048576x8xf32, #tpu.memory_space<hbm>>
      tpu.wait_indirect_dma semaphore(%arg9 : memref<!tpu.dma_semaphore, #tpu.memory_space<semaphore_mem>>) src(%dma_wait3A_424 : memref<1048576x8xf32, #tpu.memory_space<hbm>>) dst(%dma_wait3A_418 : memref<128x8xf32, #tpu.memory_space<vmem>>)
      %dma_wait3A_425 = arith.constant 640 : i32
      %dma_wait3A_426 = arith.constant 0 : i32
      %dma_wait3A_427 = tpu.memref_slice %arg7[%dma_wait3A_425, %dma_wait3A_426] : memref<1280x8xf32, #tpu.memory_space<vmem>> -> memref<128x8xf32, #tpu.memory_space<vmem>>
      %dma_wait3A_428 = arith.constant 0 : i32
      %dma_wait3A_429 = tpu.memref_slice %arg5[%add3A_216, %dma_wait3A_428] : memref<200x128xi32, #tpu.memory_space<vmem>> -> memref<1x128xi32, #tpu.memory_space<vmem>>
      %dma_wait3A_430 = tpu.memref_squeeze %dma_wait3A_429 : memref<1x128xi32, #tpu.memory_space<vmem>> -> memref<128xi32, #tpu.memory_space<vmem>>
      %dma_wait3A_431 = arith.constant 0 : i32
      %dma_wait3A_432 = arith.constant 0 : i32
      %dma_wait3A_433 = tpu.memref_slice %arg2[%dma_wait3A_431, %dma_wait3A_432] : memref<1048576x8xf32, #tpu.memory_space<hbm>> -> memref<1048576x8xf32, #tpu.memory_space<hbm>>
      tpu.wait_indirect_dma semaphore(%arg9 : memref<!tpu.dma_semaphore, #tpu.memory_space<semaphore_mem>>) src(%dma_wait3A_433 : memref<1048576x8xf32, #tpu.memory_space<hbm>>) dst(%dma_wait3A_427 : memref<128x8xf32, #tpu.memory_space<vmem>>)
      %dma_wait3A_434 = arith.constant 768 : i32
      %dma_wait3A_435 = arith.constant 0 : i32
      %dma_wait3A_436 = tpu.memref_slice %arg7[%dma_wait3A_434, %dma_wait3A_435] : memref<1280x8xf32, #tpu.memory_space<vmem>> -> memref<128x8xf32, #tpu.memory_space<vmem>>
      %dma_wait3A_437 = arith.constant 0 : i32
      %dma_wait3A_438 = tpu.memref_slice %arg5[%add3A_229, %dma_wait3A_437] : memref<200x128xi32, #tpu.memory_space<vmem>> -> memref<1x128xi32, #tpu.memory_space<vmem>>
      %dma_wait3A_439 = tpu.memref_squeeze %dma_wait3A_438 : memref<1x128xi32, #tpu.memory_space<vmem>> -> memref<128xi32, #tpu.memory_space<vmem>>
      %dma_wait3A_440 = arith.constant 0 : i32
      %dma_wait3A_441 = arith.constant 0 : i32
      %dma_wait3A_442 = tpu.memref_slice %arg2[%dma_wait3A_440, %dma_wait3A_441] : memref<1048576x8xf32, #tpu.memory_space<hbm>> -> memref<1048576x8xf32, #tpu.memory_space<hbm>>
      tpu.wait_indirect_dma semaphore(%arg9 : memref<!tpu.dma_semaphore, #tpu.memory_space<semaphore_mem>>) src(%dma_wait3A_442 : memref<1048576x8xf32, #tpu.memory_space<hbm>>) dst(%dma_wait3A_436 : memref<128x8xf32, #tpu.memory_space<vmem>>)
      %dma_wait3A_443 = arith.constant 896 : i32
      %dma_wait3A_444 = arith.constant 0 : i32
      %dma_wait3A_445 = tpu.memref_slice %arg7[%dma_wait3A_443, %dma_wait3A_444] : memref<1280x8xf32, #tpu.memory_space<vmem>> -> memref<128x8xf32, #tpu.memory_space<vmem>>
      %dma_wait3A_446 = arith.constant 0 : i32
      %dma_wait3A_447 = tpu.memref_slice %arg5[%add3A_242, %dma_wait3A_446] : memref<200x128xi32, #tpu.memory_space<vmem>> -> memref<1x128xi32, #tpu.memory_space<vmem>>
      %dma_wait3A_448 = tpu.memref_squeeze %dma_wait3A_447 : memref<1x128xi32, #tpu.memory_space<vmem>> -> memref<128xi32, #tpu.memory_space<vmem>>
      %dma_wait3A_449 = arith.constant 0 : i32
      %dma_wait3A_450 = arith.constant 0 : i32
      %dma_wait3A_451 = tpu.memref_slice %arg2[%dma_wait3A_449, %dma_wait3A_450] : memref<1048576x8xf32, #tpu.memory_space<hbm>> -> memref<1048576x8xf32, #tpu.memory_space<hbm>>
      tpu.wait_indirect_dma semaphore(%arg9 : memref<!tpu.dma_semaphore, #tpu.memory_space<semaphore_mem>>) src(%dma_wait3A_451 : memref<1048576x8xf32, #tpu.memory_space<hbm>>) dst(%dma_wait3A_445 : memref<128x8xf32, #tpu.memory_space<vmem>>)
      %dma_wait3A_452 = arith.constant 1024 : i32
      %dma_wait3A_453 = arith.constant 0 : i32
      %dma_wait3A_454 = tpu.memref_slice %arg7[%dma_wait3A_452, %dma_wait3A_453] : memref<1280x8xf32, #tpu.memory_space<vmem>> -> memref<128x8xf32, #tpu.memory_space<vmem>>
      %dma_wait3A_455 = arith.constant 0 : i32
      %dma_wait3A_456 = tpu.memref_slice %arg5[%add3A_255, %dma_wait3A_455] : memref<200x128xi32, #tpu.memory_space<vmem>> -> memref<1x128xi32, #tpu.memory_space<vmem>>
      %dma_wait3A_457 = tpu.memref_squeeze %dma_wait3A_456 : memref<1x128xi32, #tpu.memory_space<vmem>> -> memref<128xi32, #tpu.memory_space<vmem>>
      %dma_wait3A_458 = arith.constant 0 : i32
      %dma_wait3A_459 = arith.constant 0 : i32
      %dma_wait3A_460 = tpu.memref_slice %arg2[%dma_wait3A_458, %dma_wait3A_459] : memref<1048576x8xf32, #tpu.memory_space<hbm>> -> memref<1048576x8xf32, #tpu.memory_space<hbm>>
      tpu.wait_indirect_dma semaphore(%arg9 : memref<!tpu.dma_semaphore, #tpu.memory_space<semaphore_mem>>) src(%dma_wait3A_460 : memref<1048576x8xf32, #tpu.memory_space<hbm>>) dst(%dma_wait3A_454 : memref<128x8xf32, #tpu.memory_space<vmem>>)
      %dma_wait3A_461 = arith.constant 1152 : i32
      %dma_wait3A_462 = arith.constant 0 : i32
      %dma_wait3A_463 = tpu.memref_slice %arg7[%dma_wait3A_461, %dma_wait3A_462] : memref<1280x8xf32, #tpu.memory_space<vmem>> -> memref<128x8xf32, #tpu.memory_space<vmem>>
      %dma_wait3A_464 = arith.constant 0 : i32
      %dma_wait3A_465 = tpu.memref_slice %arg5[%add3A_268, %dma_wait3A_464] : memref<200x128xi32, #tpu.memory_space<vmem>> -> memref<1x128xi32, #tpu.memory_space<vmem>>
      %dma_wait3A_466 = tpu.memref_squeeze %dma_wait3A_465 : memref<1x128xi32, #tpu.memory_space<vmem>> -> memref<128xi32, #tpu.memory_space<vmem>>
      %dma_wait3A_467 = arith.constant 0 : i32
      %dma_wait3A_468 = arith.constant 0 : i32
      %dma_wait3A_469 = tpu.memref_slice %arg2[%dma_wait3A_467, %dma_wait3A_468] : memref<1048576x8xf32, #tpu.memory_space<hbm>> -> memref<1048576x8xf32, #tpu.memory_space<hbm>>
      tpu.wait_indirect_dma semaphore(%arg9 : memref<!tpu.dma_semaphore, #tpu.memory_space<semaphore_mem>>) src(%dma_wait3A_469 : memref<1048576x8xf32, #tpu.memory_space<hbm>>) dst(%dma_wait3A_463 : memref<128x8xf32, #tpu.memory_space<vmem>>)
      %mul3A_470 = arith.constant 10 : i32
      %mul3A_471 = arith.muli %add3A_379, %mul3A_470 : i32
      %mul3A_472 = arith.constant 128 : i32
      %mul3A_473 = arith.muli %mul3A_471, %mul3A_472 : i32
      %add3A_474 = arith.addi %mul3A_2, %mul3A_473 : i32
      "tpu.region"() ({
        %run_scoped3A = tpu.sem_alloc : memref<!tpu.dma_semaphore, #tpu.memory_space<semaphore_mem>>
        %dma_start3A_475 = arith.constant 0 : i32
        %dma_start3A_476 = tpu.memref_slice %arg4[%add3A_474, %dma_start3A_475] : memref<819200x8xf32, #tpu.memory_space<hbm>> -> memref<1280x8xf32, #tpu.memory_space<hbm>>
        %dma_start3A_477 = arith.constant 0 : i32
        %dma_start3A_478 = tpu.memref_slice %arg4[%add3A_474, %dma_start3A_477] : memref<819200x8xf32, #tpu.memory_space<hbm>> -> memref<1280x8xf32, #tpu.memory_space<hbm>>
        tpu.enqueue_dma source(%arg7 : memref<1280x8xf32, #tpu.memory_space<vmem>>) target(%dma_start3A_478 : memref<1280x8xf32, #tpu.memory_space<hbm>>) target_semaphore(%run_scoped3A : memref<!tpu.dma_semaphore, #tpu.memory_space<semaphore_mem>>)
        %dma_wait3A_479 = arith.constant 0 : i32
        %dma_wait3A_480 = tpu.memref_slice %arg4[%add3A_474, %dma_wait3A_479] : memref<819200x8xf32, #tpu.memory_space<hbm>> -> memref<1280x8xf32, #tpu.memory_space<hbm>>
        %dma_wait3A_481 = arith.constant 0 : i32
        %dma_wait3A_482 = tpu.memref_slice %arg4[%add3A_474, %dma_wait3A_481] : memref<819200x8xf32, #tpu.memory_space<hbm>> -> memref<1280x8xf32, #tpu.memory_space<hbm>>
        tpu.wait_dma2 semaphore(%run_scoped3A : memref<!tpu.dma_semaphore, #tpu.memory_space<semaphore_mem>>) src(%arg7 : memref<1280x8xf32, #tpu.memory_space<vmem>>) dst(%dma_wait3A_482 : memref<1280x8xf32, #tpu.memory_space<hbm>>)
        tpu.yield
      }) : () -> ()
    }
    %scan3A_9 = arith.constant 10 : i32
    return
  }
}

module attributes {stable_mosaic.version = 14 : i64} {
  func.func @body(%arg0: i32, %arg1: memref<32x4096xf32, #tpu.memory_space<vmem>>, %arg2: memref<32x4096xf32, #tpu.memory_space<vmem>>, %arg3: memref<32x4096xf32, #tpu.memory_space<vmem>>, %arg4: memref<32x4096xf32, #tpu.memory_space<vmem>>, %arg5: memref<32x4096xf32, #tpu.memory_space<vmem>>, %arg6: memref<32x4096xf32, #tpu.memory_space<vmem>>, %arg7: memref<32x4096xf32, #tpu.memory_space<vmem>>, %arg8: memref<32x4096xf32, #tpu.memory_space<vmem>>, %arg9: memref<32x4096xf32, #tpu.memory_space<vmem>>, %arg10: memref<32x4096xf32, #tpu.memory_space<vmem>>, %arg11: memref<32x4096xf32, #tpu.memory_space<vmem>>, %arg12: memref<32x4096xf32, #tpu.memory_space<vmem>>, %arg13: memref<32x4096xf32, #tpu.memory_space<vmem>>, %arg14: memref<32x4096xf32, #tpu.memory_space<vmem>>, %arg15: memref<32x4096xf32, #tpu.memory_space<vmem>>, %arg16: memref<32x4096xf32, #tpu.memory_space<vmem>>, %arg17: memref<512x128xf32, #tpu.memory_space<vmem>>, %arg18: memref<1x128xf32, #tpu.memory_space<vmem>>, %arg19: memref<4096x128xf32, #tpu.memory_space<vmem>>) attributes {dimension_semantics = [#tpu.dimension_semantics<arbitrary>], iteration_bounds = array<i64: 16>, scalar_prefetch = 0 : i64, scratch_operands = 0 : i64, tpu.core_type = #tpu.core_type<tc>, window_params = [{transform_indices = @transform_0, window_bounds = array<i64: 32, 4096>}, {transform_indices = @transform_1, window_bounds = array<i64: 32, 4096>}, {transform_indices = @transform_2, window_bounds = array<i64: 32, 4096>}, {transform_indices = @transform_3, window_bounds = array<i64: 32, 4096>}, {transform_indices = @transform_4, window_bounds = array<i64: 32, 4096>}, {transform_indices = @transform_5, window_bounds = array<i64: 32, 4096>}, {transform_indices = @transform_6, window_bounds = array<i64: 32, 4096>}, {transform_indices = @transform_7, window_bounds = array<i64: 32, 4096>}, {transform_indices = @transform_8, window_bounds = array<i64: 32, 4096>}, {transform_indices = @transform_9, window_bounds = array<i64: 32, 4096>}, {transform_indices = @transform_10, window_bounds = array<i64: 32, 4096>}, {transform_indices = @transform_11, window_bounds = array<i64: 32, 4096>}, {transform_indices = @transform_12, window_bounds = array<i64: 32, 4096>}, {transform_indices = @transform_13, window_bounds = array<i64: 32, 4096>}, {transform_indices = @transform_14, window_bounds = array<i64: 32, 4096>}, {transform_indices = @transform_15, window_bounds = array<i64: 32, 4096>}, {pipeline_mode = #tpu.pipeline_mode<synchronous>, transform_indices = @transform_16, window_bounds = array<i64: 512, 128>}, {pipeline_mode = #tpu.pipeline_mode<synchronous>, transform_indices = @transform_17, window_bounds = array<i64: 1, 128>}, {transform_indices = @transform_18, window_bounds = array<i64: 4096, 128>}]} {
    %get3A = arith.constant 0 : index
    %get3A_0 = arith.constant 0 : index
    %get3A_1 = vector.load %arg1[%get3A, %get3A_0] : memref<32x4096xf32, #tpu.memory_space<vmem>>, vector<32x4096xf32>
    %get3A_2 = arith.constant 0 : index
    %get3A_3 = arith.constant 0 : index
    %get3A_4 = vector.load %arg2[%get3A_2, %get3A_3] : memref<32x4096xf32, #tpu.memory_space<vmem>>, vector<32x4096xf32>
    %get3A_5 = arith.constant 0 : index
    %get3A_6 = arith.constant 0 : index
    %get3A_7 = vector.load %arg3[%get3A_5, %get3A_6] : memref<32x4096xf32, #tpu.memory_space<vmem>>, vector<32x4096xf32>
    %get3A_8 = arith.constant 0 : index
    %get3A_9 = arith.constant 0 : index
    %get3A_10 = vector.load %arg4[%get3A_8, %get3A_9] : memref<32x4096xf32, #tpu.memory_space<vmem>>, vector<32x4096xf32>
    %get3A_11 = arith.constant 0 : index
    %get3A_12 = arith.constant 0 : index
    %get3A_13 = vector.load %arg5[%get3A_11, %get3A_12] : memref<32x4096xf32, #tpu.memory_space<vmem>>, vector<32x4096xf32>
    %get3A_14 = arith.constant 0 : index
    %get3A_15 = arith.constant 0 : index
    %get3A_16 = vector.load %arg6[%get3A_14, %get3A_15] : memref<32x4096xf32, #tpu.memory_space<vmem>>, vector<32x4096xf32>
    %get3A_17 = arith.constant 0 : index
    %get3A_18 = arith.constant 0 : index
    %get3A_19 = vector.load %arg7[%get3A_17, %get3A_18] : memref<32x4096xf32, #tpu.memory_space<vmem>>, vector<32x4096xf32>
    %get3A_20 = arith.constant 0 : index
    %get3A_21 = arith.constant 0 : index
    %get3A_22 = vector.load %arg8[%get3A_20, %get3A_21] : memref<32x4096xf32, #tpu.memory_space<vmem>>, vector<32x4096xf32>
    %get3A_23 = arith.constant 0 : index
    %get3A_24 = arith.constant 0 : index
    %get3A_25 = vector.load %arg9[%get3A_23, %get3A_24] : memref<32x4096xf32, #tpu.memory_space<vmem>>, vector<32x4096xf32>
    %get3A_26 = arith.constant 0 : index
    %get3A_27 = arith.constant 0 : index
    %get3A_28 = vector.load %arg10[%get3A_26, %get3A_27] : memref<32x4096xf32, #tpu.memory_space<vmem>>, vector<32x4096xf32>
    %get3A_29 = arith.constant 0 : index
    %get3A_30 = arith.constant 0 : index
    %get3A_31 = vector.load %arg11[%get3A_29, %get3A_30] : memref<32x4096xf32, #tpu.memory_space<vmem>>, vector<32x4096xf32>
    %get3A_32 = arith.constant 0 : index
    %get3A_33 = arith.constant 0 : index
    %get3A_34 = vector.load %arg12[%get3A_32, %get3A_33] : memref<32x4096xf32, #tpu.memory_space<vmem>>, vector<32x4096xf32>
    %get3A_35 = arith.constant 0 : index
    %get3A_36 = arith.constant 0 : index
    %get3A_37 = vector.load %arg13[%get3A_35, %get3A_36] : memref<32x4096xf32, #tpu.memory_space<vmem>>, vector<32x4096xf32>
    %get3A_38 = arith.constant 0 : index
    %get3A_39 = arith.constant 0 : index
    %get3A_40 = vector.load %arg14[%get3A_38, %get3A_39] : memref<32x4096xf32, #tpu.memory_space<vmem>>, vector<32x4096xf32>
    %get3A_41 = arith.constant 0 : index
    %get3A_42 = arith.constant 0 : index
    %get3A_43 = vector.load %arg15[%get3A_41, %get3A_42] : memref<32x4096xf32, #tpu.memory_space<vmem>>, vector<32x4096xf32>
    %get3A_44 = arith.constant 0 : index
    %get3A_45 = arith.constant 0 : index
    %get3A_46 = vector.load %arg16[%get3A_44, %get3A_45] : memref<32x4096xf32, #tpu.memory_space<vmem>>, vector<32x4096xf32>
    %concatenate3A = tpu.concatenate %get3A_1, %get3A_4, %get3A_7, %get3A_10, %get3A_13, %get3A_16, %get3A_19, %get3A_22, %get3A_25, %get3A_28, %get3A_31, %get3A_34, %get3A_37, %get3A_40, %get3A_43, %get3A_46 in 0 : vector<32x4096xf32>, vector<32x4096xf32>, vector<32x4096xf32>, vector<32x4096xf32>, vector<32x4096xf32>, vector<32x4096xf32>, vector<32x4096xf32>, vector<32x4096xf32>, vector<32x4096xf32>, vector<32x4096xf32>, vector<32x4096xf32>, vector<32x4096xf32>, vector<32x4096xf32>, vector<32x4096xf32>, vector<32x4096xf32>, vector<32x4096xf32> -> vector<512x4096xf32>
    %get3A_47 = arith.constant 0 : index
    %get3A_48 = arith.constant 0 : index
    %get3A_49 = vector.load %arg17[%get3A_47, %get3A_48] : memref<512x128xf32, #tpu.memory_space<vmem>>, vector<512x128xf32>
    %dot_general3A = arith.constant dense<0.000000e+00> : vector<4096x128xf32>
    %dot_general3A_50 = tpu.matmul %concatenate3A, %get3A_49, %dot_general3A {dimension_numbers = #tpu.dot_dimension_numbers<[0], [0], [1], [1], [0, 1, 1, 1], [], []>, transpose_lhs_hint = false} : vector<512x4096xf32>, vector<512x128xf32>, vector<4096x128xf32> -> vector<4096x128xf32>
    %get3A_51 = arith.constant 0 : index
    %get3A_52 = arith.constant 0 : index
    %get3A_53 = vector.load %arg18[%get3A_51, %get3A_52] : memref<1x128xf32, #tpu.memory_space<vmem>>, vector<1x128xf32>
    %add3A = vector.broadcast %get3A_53 : vector<1x128xf32> to vector<4096x128xf32>
    %add3A_54 = arith.addf %dot_general3A_50, %add3A : vector<4096x128xf32>
    %swap3A = arith.constant 0 : index
    %swap3A_55 = arith.constant 0 : index
    %swap3A_56 = vector.load %arg19[%swap3A, %swap3A_55] : memref<4096x128xf32, #tpu.memory_space<vmem>>, vector<4096x128xf32>
    tpu.vector_store %arg19[%swap3A, %swap3A_55], %add3A_54 {strides = array<i32>} : memref<4096x128xf32, #tpu.memory_space<vmem>>, vector<4096x128xf32>,
    return
  }
  func.func @transform_0(%arg0: i32) -> (i32, i32) {
    %add3A = arith.constant 0 : i32
    %add3A_0 = arith.addi %add3A, %arg0 : i32
    %c0_i32 = arith.constant 0 : i32
    %c0_i32_1 = arith.constant 0 : i32
    return %c0_i32, %add3A_0 : i32, i32
  }
  func.func @transform_1(%arg0: i32) -> (i32, i32) {
    %add3A = arith.constant 16 : i32
    %add3A_0 = arith.addi %add3A, %arg0 : i32
    %c0_i32 = arith.constant 0 : i32
    %c0_i32_1 = arith.constant 0 : i32
    return %c0_i32, %add3A_0 : i32, i32
  }
  func.func @transform_2(%arg0: i32) -> (i32, i32) {
    %add3A = arith.constant 32 : i32
    %add3A_0 = arith.addi %add3A, %arg0 : i32
    %c0_i32 = arith.constant 0 : i32
    %c0_i32_1 = arith.constant 0 : i32
    return %c0_i32, %add3A_0 : i32, i32
  }
  func.func @transform_3(%arg0: i32) -> (i32, i32) {
    %add3A = arith.constant 48 : i32
    %add3A_0 = arith.addi %add3A, %arg0 : i32
    %c0_i32 = arith.constant 0 : i32
    %c0_i32_1 = arith.constant 0 : i32
    return %c0_i32, %add3A_0 : i32, i32
  }
  func.func @transform_4(%arg0: i32) -> (i32, i32) {
    %add3A = arith.constant 64 : i32
    %add3A_0 = arith.addi %add3A, %arg0 : i32
    %c0_i32 = arith.constant 0 : i32
    %c0_i32_1 = arith.constant 0 : i32
    return %c0_i32, %add3A_0 : i32, i32
  }
  func.func @transform_5(%arg0: i32) -> (i32, i32) {
    %add3A = arith.constant 80 : i32
    %add3A_0 = arith.addi %add3A, %arg0 : i32
    %c0_i32 = arith.constant 0 : i32
    %c0_i32_1 = arith.constant 0 : i32
    return %c0_i32, %add3A_0 : i32, i32
  }
  func.func @transform_6(%arg0: i32) -> (i32, i32) {
    %add3A = arith.constant 96 : i32
    %add3A_0 = arith.addi %add3A, %arg0 : i32
    %c0_i32 = arith.constant 0 : i32
    %c0_i32_1 = arith.constant 0 : i32
    return %c0_i32, %add3A_0 : i32, i32
  }
  func.func @transform_7(%arg0: i32) -> (i32, i32) {
    %add3A = arith.constant 112 : i32
    %add3A_0 = arith.addi %add3A, %arg0 : i32
    %c0_i32 = arith.constant 0 : i32
    %c0_i32_1 = arith.constant 0 : i32
    return %c0_i32, %add3A_0 : i32, i32
  }
  func.func @transform_8(%arg0: i32) -> (i32, i32) {
    %add3A = arith.constant 128 : i32
    %add3A_0 = arith.addi %add3A, %arg0 : i32
    %c0_i32 = arith.constant 0 : i32
    %c0_i32_1 = arith.constant 0 : i32
    return %c0_i32, %add3A_0 : i32, i32
  }
  func.func @transform_9(%arg0: i32) -> (i32, i32) {
    %add3A = arith.constant 144 : i32
    %add3A_0 = arith.addi %add3A, %arg0 : i32
    %c0_i32 = arith.constant 0 : i32
    %c0_i32_1 = arith.constant 0 : i32
    return %c0_i32, %add3A_0 : i32, i32
  }
  func.func @transform_10(%arg0: i32) -> (i32, i32) {
    %add3A = arith.constant 160 : i32
    %add3A_0 = arith.addi %add3A, %arg0 : i32
    %c0_i32 = arith.constant 0 : i32
    %c0_i32_1 = arith.constant 0 : i32
    return %c0_i32, %add3A_0 : i32, i32
  }
  func.func @transform_11(%arg0: i32) -> (i32, i32) {
    %add3A = arith.constant 176 : i32
    %add3A_0 = arith.addi %add3A, %arg0 : i32
    %c0_i32 = arith.constant 0 : i32
    %c0_i32_1 = arith.constant 0 : i32
    return %c0_i32, %add3A_0 : i32, i32
  }
  func.func @transform_12(%arg0: i32) -> (i32, i32) {
    %add3A = arith.constant 192 : i32
    %add3A_0 = arith.addi %add3A, %arg0 : i32
    %c0_i32 = arith.constant 0 : i32
    %c0_i32_1 = arith.constant 0 : i32
    return %c0_i32, %add3A_0 : i32, i32
  }
  func.func @transform_13(%arg0: i32) -> (i32, i32) {
    %add3A = arith.constant 208 : i32
    %add3A_0 = arith.addi %add3A, %arg0 : i32
    %c0_i32 = arith.constant 0 : i32
    %c0_i32_1 = arith.constant 0 : i32
    return %c0_i32, %add3A_0 : i32, i32
  }
  func.func @transform_14(%arg0: i32) -> (i32, i32) {
    %add3A = arith.constant 224 : i32
    %add3A_0 = arith.addi %add3A, %arg0 : i32
    %c0_i32 = arith.constant 0 : i32
    %c0_i32_1 = arith.constant 0 : i32
    return %c0_i32, %add3A_0 : i32, i32
  }
  func.func @transform_15(%arg0: i32) -> (i32, i32) {
    %add3A = arith.constant 240 : i32
    %add3A_0 = arith.addi %add3A, %arg0 : i32
    %c0_i32 = arith.constant 0 : i32
    %c0_i32_1 = arith.constant 0 : i32
    return %c0_i32, %add3A_0 : i32, i32
  }
  func.func @transform_16(%arg0: i32) -> (i32, i32) {
    %c0_i32 = arith.constant 0 : i32
    %c0_i32_0 = arith.constant 0 : i32
    %c0_i32_1 = arith.constant 0 : i32
    return %c0_i32, %c0_i32_0 : i32, i32
  }
  func.func @transform_17(%arg0: i32) -> (i32, i32) {
    %c0_i32 = arith.constant 0 : i32
    %c0_i32_0 = arith.constant 0 : i32
    %c0_i32_1 = arith.constant 0 : i32
    return %c0_i32, %c0_i32_0 : i32, i32
  }
  func.func @transform_18(%arg0: i32) -> (i32, i32) {
    %c0_i32 = arith.constant 0 : i32
    %c0_i32_0 = arith.constant 0 : i32
    return %arg0, %c0_i32 : i32, i32
  }
}

</mosaic_0001>

<sc_bundles>
// kernel: kernel.4.cloned.1.call-start
scs
__scs_entry_jumppad:
0x0: {  	(pc) =	sbr.rel $0x88, $3  }
0x1: {  	(tag) =	ssettag $0x0;
	lr =	simm.s32 $0x1  }
0x2: {  	[smem:$0x3F9D] =	sst lr;
	_ =	strace $0xD0000000  }
0x3: {  	_ = 	snop  }
0x4: {  	_ = 	snop  }
0x5: {  	_ = 	snop  }
0x6: {  	_ = 	snop  }
0x7: {  	_ = 	snop  }
__scs_overlays_trampoline_lowered:
0x8: {  	[smem:$0x3FAC] =	sst s0  }
0x9: {  	[smem:$0x3FAD] =	sst s1  }
0xa: {  	[smem:$0x3FAE] =	sst s2  }
0xb: {  	[smem:$0x3FAF] =	sst s3  }
0xc: {  	[smem:$0x3FB0] =	sst s4  }
0xd: {  	[smem:$0x3FB1] =	sst s5  }
0xe: {  	[smem:$0x3FB2] =	sst s6  }
0xf: {  	[smem:$0x3FB3] =	sst s7  }
0x10: {  	[smem:$0x3FB4] =	sst s8  }
0x11: {  	[smem:$0x3FB5] =	sst s9;
	s0 =	simm.s32 @!p0 $0x0  }
0x12: {  	s1 =	sld [smem:$0x3F9B];
	s0 =	simm.s32 @p0 $0x1  }
0x13: {  	[smem:$0x3FB6] =	sst s0;
	s0 =	simm.s32 @!p1 $0x0  }
0x14: {  	s2 =	sld [smem:$0x3F9A];
	s0 =	simm.s32 @p1 $0x1  }
0x15: {  	[smem:$0x3FB7] =	sst s0;
	s0 =	simm.s32 @!p2 $0x0  }
0x16: {  	s3 =	sld [smem:$0x3FDB];
	s0 =	simm.s32 @p2 $0x1  }
0x17: {  	s4 =	simm.s32 $0x1BF5;
	[smem:$0x3FB9] =	sst s0  }
0x18: {  	s0 =	sld [smem:$0x3F9C];
	_ =	swait.ge [sflag:s4], $0x0  }
0x19: {  	s7 =	sld [smem:$0x3F9D]  }
0x1a: {  	s8 =	sadd.s32 $0xFFFFE003, lr  }
0x1b: {  	s9 =	sadd.s32 $0xFFFFFEF7, lr;
	s5 =	simm.s32 $0xFFFFFFFF;
	p2 =	slt.u32 s8, $0xFFFFF086  }
0x1c: {  	p1 =	slt.u32 s9, $0xF7A;
	s5 =	simm.s32 @!p2 $0x0  }
0x1d: {  	s5 =	simm.s32 @p1 $0x1;
	p0 =	seq.s32 s7, s2  }
0x1e: {  	s7 =	smul.u32 @!p0 $0xF7A, s2;
	p2 =	seq.s32 @!p0 s5, $0x0  }
0x1f: {  	s9 =	smul.u32 $0xF7A, s1;
	s8 =	simm.s32 @!p0 $0x1BF5;
	p2 =	por !p2, p0  }
0x20: {  	[sflag:s8] =	ssyncset.s32 @!p0 $0xFFFFF086;
	s6 =	sadd.s32 @!p0 s3, s7;
	s7 =	simm.s32 @!p0 $0x108  }
0x21: {  	s3 =	sadd.s32 s3, s9;
	s6 =	sadd.s32 @!p0 $0x88, s6;
	s7 =	simm.s32 @p2 $0x1082  }
0x22: {  	[simem:s7], [sflag:s8] =	dma.local @!p0 [hbm:s6], $0xF7A  }
0x23: {  	s9 =	sor.u32 $0xD0000000, s2;
	s6 =	simm.s32 $0x108;
	_ =	swait.ge @!p0 [sflag:s8], $0x0  }
0x24: {  	s3 =	sadd.s32 $0x88, s3;
	s6 =	simm.s32 @!p1 $0x1082;
	[sflag:s4] =	ssyncset.s32 $0xFFFFF086  }
0x25: {  	[simem:s6], [sflag:s4] =	dma.local [hbm:s3], $0xF7A  }
0x26: {  	[smem:$0x3F9D] =	sst s1;
	(tag) =	ssettag s2;
	_ =	strace s9  }
0x27: {  	s1 =	sld [smem:$0x3FAD]  }
0x28: {  	s2 =	sld [smem:$0x3FAE]  }
0x29: {  	s4 =	sld [smem:$0x3FB0]  }
0x2a: {  	p0 =	seq.s32 s5, $0x0;
	s5 =	sld [smem:$0x3FB1]  }
0x2b: {  	s6 =	sld [smem:$0x3FB2]  }
0x2c: {  	s7 =	sld [smem:$0x3FB3]  }
0x2d: {  	s3 =	simm.s32 $0x108;
	s8 =	sld [smem:$0x3FB4]  }
0x2e: {  	s3 =	simm.s32 @!p0 $0x1082;
	s9 =	sld [smem:$0x3FB5]  }
0x2f: {  	lr =	sadd.s32 s0, s3;
	s0 =	sld [smem:$0x3FAC]  }
0x30: {  	s3 =	sld [smem:$0x3FAF]  }
0x31: {  	[smem:$0x3FB8] =	sst s10  }
0x32: {  	s10 =	sld [smem:$0x3FB6];
	_ =	sdelay $0x3  }
0x33: {  	p0 =	seq.s32 s10, $0x1;
	s10 =	sld [smem:$0x3FB8];
	_ =	sdelay $0x3  }
0x34: {  	[smem:$0x3FB8] =	sst s10  }
0x35: {  	s10 =	sld [smem:$0x3FB7];
	_ =	sdelay $0x3  }
0x36: {  	p1 =	seq.s32 s10, $0x1;
	s10 =	sld [smem:$0x3FB8];
	_ =	sdelay $0x3  }
0x37: {  	[smem:$0x3FB8] =	sst s10  }
0x38: {  	s10 =	sld [smem:$0x3FB9]  }
0x39: {  	_ = 	snop;
	(pc) =	sbr.ind lr, $3  }
0x3a: {  	_ = 	snop  }
0x3b: {  	_ = 	snop  }
0x3c: {  	p2 =	seq.s32 s10, $0x1;
	s10 =	sld [smem:$0x3FB8]  }
0x3d: {  	_ =	shalt  }
0x3e: {  	_ =	shalt  }
0x3f: {  	_ =	shalt  }
0x40: {  	_ =	shalt  }
0x41: {  	_ =	shalt  }
0x42: {  	_ =	shalt  }
0x43: {  	_ =	shalt  }
0x44: {  	_ =	shalt  }
0x45: {  	_ =	shalt  }
0x46: {  	_ =	shalt  }
0x47: {  	_ =	shalt  }
0x48: {  	_ =	shalt  }
0x49: {  	_ =	shalt  }
0x4a: {  	_ =	shalt  }
0x4b: {  	_ =	shalt  }
0x4c: {  	_ =	shalt  }
0x4d: {  	_ =	shalt  }
0x4e: {  	_ =	shalt  }
0x4f: {  	_ =	shalt  }
0x50: {  	_ =	shalt  }
0x51: {  	_ =	shalt  }
0x52: {  	_ =	shalt  }
0x53: {  	_ =	shalt  }
0x54: {  	_ =	shalt  }
0x55: {  	_ =	shalt  }
0x56: {  	_ =	shalt  }
0x57: {  	_ =	shalt  }
0x58: {  	_ =	shalt  }
0x59: {  	_ =	shalt  }
0x5a: {  	_ =	shalt  }
0x5b: {  	_ =	shalt  }
0x5c: {  	_ =	shalt  }
0x5d: {  	_ =	shalt  }
0x5e: {  	_ =	shalt  }
0x5f: {  	_ =	shalt  }
0x60: {  	_ =	shalt  }
0x61: {  	_ =	shalt  }
0x62: {  	_ =	shalt  }
0x63: {  	_ =	shalt  }
0x64: {  	_ =	shalt  }
0x65: {  	_ =	shalt  }
0x66: {  	_ =	shalt  }
0x67: {  	_ =	shalt  }
0x68: {  	_ =	shalt  }
0x69: {  	_ =	shalt  }
0x6a: {  	_ =	shalt  }
0x6b: {  	_ =	shalt  }
0x6c: {  	_ =	shalt  }
0x6d: {  	_ =	shalt  }
0x6e: {  	_ =	shalt  }
0x6f: {  	_ =	shalt  }
0x70: {  	_ =	shalt  }
0x71: {  	_ =	shalt  }
0x72: {  	_ =	shalt  }
0x73: {  	_ =	shalt  }
0x74: {  	_ =	shalt  }
0x75: {  	_ =	shalt  }
0x76: {  	_ =	shalt  }
0x77: {  	_ =	shalt  }
0x78: {  	_ =	shalt  }
0x79: {  	_ =	shalt  }
0x7a: {  	_ =	shalt  }
0x7b: {  	_ =	shalt  }
0x7c: {  	_ =	shalt  }
0x7d: {  	_ =	shalt  }
0x7e: {  	_ =	shalt  }
0x7f: {  	_ =	shalt  }
0x80: {  	_ =	shalt  }
0x81: {  	_ =	shalt  }
0x82: {  	_ =	shalt  }
0x83: {  	_ =	shalt  }
0x84: {  	_ =	shalt  }
0x85: {  	_ =	shalt  }
0x86: {  	_ =	shalt  }
0x87: {  	_ =	shalt  }
.Lfunc_end0:
.L_simem_size_0:
called_computation_lowered:
.L_overlay_start_0:
0x88: {  	s2 =	sld [smem:$0x3FD9]  }
0x89: {  	s3 =	sld [smem:$0x3FFE];
	_ =	sdelay $0x1  }
0x8a: {  	s1 =	srdreg.scid  }
0x8b: {  	s0 =	sand.u32 $0x1, s1  }
0x8c: {  	s17 =	sshll.u32 s0, $0xA;
	s2 =	sadd.s32 s3, s2  }
0x8d: {  	s2 =	sadd.s32 s2, s17  }
0x8e: {  	[smem:$0x3FC4] =	sst s2  }
0x8f: {  	_ = 	snop  }
0x90: {  	s2 =	sld [smem:$0x3FD0];
	(tm) =	ssettm $0x1  }
0x91: {  	s18 =	sld [smem:$0x3FFB];
	_ =	sdelay $0x3  }
0x92: {  	_ =	strace s18  }
0x93: {  	s3 =	sld [smem:$0x3FFC];
	_ =	sdelay $0x3  }
0x94: {  	_ =	strace s3  }
0x95: {  	s3 =	sld [smem:$0x3FFD];
	_ =	sdelay $0x3  }
0x96: {  	_ =	strace s3  }
0x97: {  	_ =	strace $0x8FFFFFFF  }
0x98: {  	s19 =	sld [smem:$0x3FDB];
	_ =	sdelay $0x1  }
0x99: {  	s4 =	simm.s32 $_scs_section_size  }
0x9a: {  	s5 =	simm.s32 $_size__tile_overlayer_lowered;
	s6 =	simm.s32 $_tile_overlayer_lowered  }
0x9b: {  	s22 =	simm.s32 $0x1BFF;
	s21 =	sshll.u32 s6, $0x1;
	s3 =	sadd.s32 s4, s19  }
0x9c: {  	s7 =	simm.s32 $0x0;
	s20 =	sshll.u32 s5, $0x1;
	s5 =	sadd.s32 s21, s3  }
0x9d: {  	[timem:s7], [sflag:s22] =	dma.local [hbm:s5], s20  }
0x9e: {  	_ =	swait.ge [sflag:s22], s20  }
0x9f: {  	s4 =	ssub.s32 $0x0, s20;
	[sflag:s22] =	ssyncset.done $0x0  }
0xa0: {  	[sflag:s22] =	ssyncadd.s32 s4;
	_ =	sdelay $0x1  }
0xa1: {  	s23 =	simm.s32 $0x1B8B  }
0xa2: {  	_ =	swait.ge [sflag:s23], $0x1  }
0xa3: {  	[sflag:s23] =	ssyncset.done $0x0  }
0xa4: {  	s25 =	simm.s32 $0x1B8E;
	s24 =	sld [smem:$0x3FFE];
	[sflag:s23] =	ssyncadd.s32 $0xFFFFFFFF  }
0xa5: {  	s26 =	simm.s32 $execute0_lowered;
	[smem:$0x3FD2] =	sst s25  }
0xa6: {  	s5 =	sshll.u32 s26, $0x1;
	_ =	strace $0x80000046;
	[dreg:$0x1] =	wrdreg $0xFFFFFFFF  }
0xa7: {  	s28 =	simm.s32 $_size_execute0_lowered;
	s3 =	sadd.s32 s3, s5;
	[dreg:$0x0] =	wrdreg $0x0  }
0xa8: {  	s5 =	sshll.u32 s28, $0x1;
	[dreg:$0x2] =	wrdreg s3  }
0xa9: {  	[dreg:$0x3] =	wrdreg s5  }
0xaa: {  	[dreg:$0x4] =	wrdreg $0xC0  }
0xab: {  	_ =	task [dreg:s7], $0x5FFFF  }
0xac: {  	[dreg:$0x1] =	wrdreg $0xFFFFFFFF  }
0xad: {  	[dreg:$0x0] =	wrdreg $0x60  }
0xae: {  	[dreg:$0x2] =	wrdreg s24  }
0xaf: {  	[dreg:$0x3] =	wrdreg s2  }
0xb0: {  	[dreg:$0x4] =	wrdreg $0x9  }
0xb1: {  	_ =	task.clear_ibuf [dreg:s7], $0x5FFFF;
	_ =	strace $0x90000046  }
0xb2: {  	s29 =	simm.s32 $0x9;
	_ =	strace $0x80000048  }
0xb3: {  	_ =	swait.ge [sflag:s29], $0x1  }
0xb4: {  	[sflag:s29] =	ssyncadd.s32 $0xFFFFFFFF  }
0xb5: {  	_ =	strace $0x90000048  }
0xb6: {  	_ =	sfence  }
0xb7: {  	s30 =	sld [smem:$0x0];
	_ =	sdelay $0x2  }
0xb8: {  	s31 =	sshll.u32 s1, $0xD;
	s1 =	sshrl.u32 s1, $0x2  }
0xb9: {  	s3 =	sand.u32 $0x4000, s31;
	s1 =	sadd.s32 s1, s30  }
0xba: {  	s0 =	sor.u32 s3, s0;
	s1 =	sshll.u32 s1, $0x11  }
0xbb: {  	s0 =	sor.u32 s1, s0  }
0xbc: {  	s0 =	sadd.s32 $0x8F2B, s0  }
0xbd: {  	[sflag:s0] =	ssyncadd.remote.s32 $0x1  }
0xbe: {  	_ =	sfence.sel $0xFFFF  }
0xbf: {  	[dreg:$0x0] =	wrdreg $0xFFFFFFFF;
	(pc) =	sbr.abs _section_cstart, $3  }
0xc0: {  	[dreg:$0x1] =	wrdreg $0xFFFFFFFF  }
0xc1: {  	_ =	task.clear_ibuf [dreg:s7], $0x2FFFF;
	_ =	strace $0x9FFFFFFF  }
0xc2: {  	(tm) =	ssettm $0x7FFFFFFF  }
0xc3: {  	_ =	shalt  }
tec
execute0_lowered:
.L_overlay_start_1:
0x0: {  	(tag) =	ssettag $0x1  }
0x1: {  	s6 =	rddreg [dreg:$0x0]  }
0x2: {  	s4 =	rddreg [dreg:$0x1]  }
0x3: {  	s0 =	rddreg [dreg:$0x2];
	s1 =	simm.s32 $0x0  }
0x4: {  	s8 =	simm.s32 $0x6800;
	[smem:$0x7FF] =	sst s1  }
0x5: {  	s16 =	simm.s32 $0x6C00;
	_ =	strace $0x80000047;
	[dreg:$0x3] =	wrdreg s8  }
0x6: {  	s17 =	simm.s32 $0x7000;
	[dreg:$0x4] =	wrdreg s16  }
0x7: {  	s18 =	simm.s32 $0x7400;
	[dreg:$0x5] =	wrdreg s17  }
0x8: {  	s19 =	simm.s32 $0x7800;
	[dreg:$0x6] =	wrdreg s18  }
0x9: {  	s2 =	srdreg.scid;
	s20 =	simm.s32 $0x7C00;
	[dreg:$0x7] =	wrdreg s19  }
0xa: {  	s21 =	simm.s32 $0x8000;
	s22 =	simm.s32 $0x8400;
	[dreg:$0x8] =	wrdreg s20  }
0xb: {  	s24 =	simm.s32 $0x8800;
	s25 =	simm.s32 $0x9000;
	[dreg:$0x9] =	wrdreg s21  }
0xc: {  	s26 =	simm.s32 $0x9400;
	s28 =	simm.s32 $0x9800;
	[dreg:$0xa] =	wrdreg s22  }
0xd: {  	s29 =	simm.s32 $0x9C00;
	s30 =	simm.s32 $0xA000;
	[dreg:$0xb] =	wrdreg s24  }
0xe: {  	s11 =	simm.s32 $0xA400;
	s31 =	simm.s32 $0xA800;
	[dreg:$0xc] =	wrdreg s25  }
0xf: {  	s12 =	simm.s32 $0xB000;
	s13 =	simm.s32 $0x1;
	[dreg:$0xd] =	wrdreg s26  }
0x10: {  	s14 =	simm.s32 $0x2;
	s15 =	simm.s32 $0x0;
	[dreg:$0xe] =	wrdreg s28  }
0x11: {  	s3 =	sadd.s32 $0x400000, s6;
	s7 =	sand.u32 $0x1, s2;
	[dreg:$0xf] =	wrdreg s29  }
0x12: {  	s2 =	stileid.u32;
	s5 =	ssub.s32 $0x2, s7;
	[dreg:$0x10] =	wrdreg s30  }
0x13: {  	s10 =	sshll.u32 s2, $0x1;
	s23 =	smul.u32 $0xC800, s2;
	[dreg:$0x11] =	wrdreg s11  }
0x14: {  	s8 =	simm.s32 $0x80;
	[dreg:$0x12] =	wrdreg s31;
	s11 =	simm.s32 $0xAC00  }
0x15: {  	s9 =	sshrl.u32 s5, $0x1;
	s10 =	sor.u32 s7, s10;
	s7 =	smul.u32 $0x6400, s7  }
0x16: {  	s10 =	smul.u32 $0xC80, s10;
	s5 =	ssub.s32 s5, s9;
	s6 =	sadd.s32 s23, s6  }
0x17: {  	s9 =	simm.s32 $0x6400;
	s5 =	smax.u32 s5, $0x1;
	s6 =	sadd.s32 s7, s6  }
0x18: {  	s7 =	simm.s32 $0x3;
	s4 =	sadd.s32 s4, s10;
	s10 =	simm.s32 $0x8C00  }
.LBB2_1:
0x19: {  	[tilespmem:s1], [sflag:$0x3] =	stream.linear.gather [hbm4b:s4+s1], $0x6400, $0x38;
	[tilespmem:$0xB400] =	vst v63  }
0x1a: {  	_ =	swait.ge [sflag:s7], $0x6400  }
0x1b: {  	[sflag:s7] =	ssyncset.done $0x0  }
0x1c: {  	s16 =	simm.s32 $0x0;
	[sflag:s7] =	ssyncadd.s32 $0xFFFF9C00  }
0x1d: {  	[tilespmem:s9], [sflag:$0x1] =	stream.indirect.gather [hbm4b:s3+s8], $0x8, s16, s8, $0xb8;
	[tilespmem:$0xB400] =	vst v63  }
0x1e: {  	s22 =	simm.s32 $0x80;
	s17 =	rddreg [dreg:$0x3]  }
0x1f: {  	[tilespmem:s17], [sflag:$0x1] =	stream.indirect.gather [hbm4b:s3+s8], $0x8, s22, s8, $0xb8;
	[tilespmem:$0xB400] =	vst v63  }
0x20: {  	s23 =	simm.s32 $0x100;
	s18 =	rddreg [dreg:$0x4]  }
0x21: {  	[tilespmem:s18], [sflag:$0x1] =	stream.indirect.gather [hbm4b:s3+s8], $0x8, s23, s8, $0xb8;
	[tilespmem:$0xB400] =	vst v63  }
0x22: {  	s25 =	simm.s32 $0x180;
	s24 =	rddreg [dreg:$0x5]  }
0x23: {  	[tilespmem:s24], [sflag:$0x1] =	stream.indirect.gather [hbm4b:s3+s8], $0x8, s25, s8, $0xb8;
	[tilespmem:$0xB400] =	vst v63  }
0x24: {  	s28 =	simm.s32 $0x200;
	s26 =	rddreg [dreg:$0x6]  }
0x25: {  	[tilespmem:s26], [sflag:$0x1] =	stream.indirect.gather [hbm4b:s3+s8], $0x8, s28, s8, $0xb8;
	[tilespmem:$0xB400] =	vst v63  }
0x26: {  	s30 =	simm.s32 $0x280;
	s29 =	rddreg [dreg:$0x7]  }
0x27: {  	[tilespmem:s29], [sflag:$0x1] =	stream.indirect.gather [hbm4b:s3+s8], $0x8, s30, s8, $0xb8;
	[tilespmem:$0xB400] =	vst v63  }
0x28: {  	s31 =	rddreg [dreg:$0x8];
	s17 =	simm.s32 $0x300  }
0x29: {  	[tilespmem:s31], [sflag:$0x1] =	stream.indirect.gather [hbm4b:s3+s8], $0x8, s17, s8, $0xb8;
	[tilespmem:$0xB400] =	vst v63  }
0x2a: {  	s20 =	simm.s32 $0x380;
	s19 =	rddreg [dreg:$0x9]  }
0x2b: {  	[tilespmem:s19], [sflag:$0x1] =	stream.indirect.gather [hbm4b:s3+s8], $0x8, s20, s8, $0xb8;
	[tilespmem:$0xB400] =	vst v63  }
0x2c: {  	s21 =	rddreg [dreg:$0xa];
	s22 =	simm.s32 $0x400  }
0x2d: {  	[tilespmem:s21], [sflag:$0x1] =	stream.indirect.gather [hbm4b:s3+s8], $0x8, s22, s8, $0xb8;
	[tilespmem:$0xB400] =	vst v63  }
0x2e: {  	s23 =	rddreg [dreg:$0xb];
	s24 =	simm.s32 $0x480  }
0x2f: {  	[tilespmem:s23], [sflag:$0x1] =	stream.indirect.gather [hbm4b:s3+s8], $0x8, s24, s8, $0xb8;
	[tilespmem:$0xB400] =	vst v63  }
0x30: {  	s25 =	simm.s32 $0x500  }
0x31: {  	[tilespmem:s10], [sflag:$0x2] =	stream.indirect.gather [hbm4b:s3+s8], $0x8, s25, s8, $0xb8;
	[tilespmem:$0xB400] =	vst v63  }
0x32: {  	s26 =	rddreg [dreg:$0xc];
	s28 =	simm.s32 $0x580  }
0x33: {  	[tilespmem:s26], [sflag:$0x2] =	stream.indirect.gather [hbm4b:s3+s8], $0x8, s28, s8, $0xb8;
	[tilespmem:$0xB400] =	vst v63  }
0x34: {  	s29 =	rddreg [dreg:$0xd];
	s30 =	simm.s32 $0x600  }
0x35: {  	[tilespmem:s29], [sflag:$0x2] =	stream.indirect.gather [hbm4b:s3+s8], $0x8, s30, s8, $0xb8;
	[tilespmem:$0xB400] =	vst v63  }
0x36: {  	s31 =	rddreg [dreg:$0xe];
	s19 =	simm.s32 $0x680  }
0x37: {  	[tilespmem:s31], [sflag:$0x2] =	stream.indirect.gather [hbm4b:s3+s8], $0x8, s19, s8, $0xb8;
	[tilespmem:$0xB400] =	vst v63  }
0x38: {  	s20 =	rddreg [dreg:$0xf];
	s21 =	simm.s32 $0x700  }
0x39: {  	[tilespmem:s20], [sflag:$0x2] =	stream.indirect.gather [hbm4b:s3+s8], $0x8, s21, s8, $0xb8;
	[tilespmem:$0xB400] =	vst v63  }
0x3a: {  	s22 =	rddreg [dreg:$0x10];
	s23 =	simm.s32 $0x780  }
0x3b: {  	[tilespmem:s22], [sflag:$0x2] =	stream.indirect.gather [hbm4b:s3+s8], $0x8, s23, s8, $0xb8;
	[tilespmem:$0xB400] =	vst v63  }
0x3c: {  	s24 =	rddreg [dreg:$0x11];
	s25 =	simm.s32 $0x800  }
0x3d: {  	[tilespmem:s24], [sflag:$0x2] =	stream.indirect.gather [hbm4b:s3+s8], $0x8, s25, s8, $0xb8;
	[tilespmem:$0xB400] =	vst v63  }
0x3e: {  	s26 =	rddreg [dreg:$0x12];
	s28 =	simm.s32 $0x880  }
0x3f: {  	[tilespmem:s26], [sflag:$0x2] =	stream.indirect.gather [hbm4b:s3+s8], $0x8, s28, s8, $0xb8;
	[tilespmem:$0xB400] =	vst v63  }
0x40: {  	s29 =	simm.s32 $0x900  }
0x41: {  	[tilespmem:s11], [sflag:$0x2] =	stream.indirect.gather [hbm4b:s3+s8], $0x8, s29, s8, $0xb8;
	[tilespmem:$0xB400] =	vst v63  }
0x42: {  	s30 =	simm.s32 $0x980  }
0x43: {  	[tilespmem:s12], [sflag:$0x2] =	stream.indirect.gather [hbm4b:s3+s8], $0x8, s30, s8, $0xb8;
	[tilespmem:$0xB400] =	vst v63  }
0x44: {  	_ =	swait.ge [sflag:s13], $0x400  }
0x45: {  	[sflag:s13] =	ssyncset.done $0x0  }
0x46: {  	[sflag:s13] =	ssyncadd.s32 $0xFFFFFC00  }
0x47: {  	_ =	swait.ge [sflag:s13], $0x400  }
0x48: {  	[sflag:s13] =	ssyncset.done $0x0  }
0x49: {  	[sflag:s13] =	ssyncadd.s32 $0xFFFFFC00  }
0x4a: {  	_ =	swait.ge [sflag:s13], $0x400  }
0x4b: {  	[sflag:s13] =	ssyncset.done $0x0  }
0x4c: {  	[sflag:s13] =	ssyncadd.s32 $0xFFFFFC00  }
0x4d: {  	_ =	swait.ge [sflag:s13], $0x400  }
0x4e: {  	[sflag:s13] =	ssyncset.done $0x0  }
0x4f: {  	[sflag:s13] =	ssyncadd.s32 $0xFFFFFC00  }
0x50: {  	_ =	swait.ge [sflag:s13], $0x400  }
0x51: {  	[sflag:s13] =	ssyncset.done $0x0  }
0x52: {  	[sflag:s13] =	ssyncadd.s32 $0xFFFFFC00  }
0x53: {  	_ =	swait.ge [sflag:s13], $0x400  }
0x54: {  	[sflag:s13] =	ssyncset.done $0x0  }
0x55: {  	[sflag:s13] =	ssyncadd.s32 $0xFFFFFC00  }
0x56: {  	_ =	swait.ge [sflag:s13], $0x400  }
0x57: {  	[sflag:s13] =	ssyncset.done $0x0  }
0x58: {  	[sflag:s13] =	ssyncadd.s32 $0xFFFFFC00  }
0x59: {  	_ =	swait.ge [sflag:s13], $0x400  }
0x5a: {  	[sflag:s13] =	ssyncset.done $0x0  }
0x5b: {  	[sflag:s13] =	ssyncadd.s32 $0xFFFFFC00  }
0x5c: {  	_ =	swait.ge [sflag:s13], $0x400  }
0x5d: {  	[sflag:s13] =	ssyncset.done $0x0  }
0x5e: {  	[sflag:s13] =	ssyncadd.s32 $0xFFFFFC00  }
0x5f: {  	_ =	swait.ge [sflag:s13], $0x400  }
0x60: {  	[sflag:s13] =	ssyncset.done $0x0  }
0x61: {  	[sflag:s13] =	ssyncadd.s32 $0xFFFFFC00  }
0x62: {  	[hbm4b:s6+s1] =	stream.linear.scatter [tilespmem:s9], [sflag:$0x3], $0x2800, $0x38;
	[tilespmem:$0xB400] =	vst v63  }
0x63: {  	_ =	swait.ge [sflag:s7], $0x2800  }
0x64: {  	[sflag:s7] =	ssyncset.done $0x0  }
0x65: {  	[sflag:s7] =	ssyncadd.s32 $0xFFFFD800  }
0x66: {  	_ =	swait.ge [sflag:s14], $0x400  }
0x67: {  	[sflag:s14] =	ssyncset.done $0x0  }
0x68: {  	[sflag:s14] =	ssyncadd.s32 $0xFFFFFC00  }
0x69: {  	_ =	swait.ge [sflag:s14], $0x400  }
0x6a: {  	[sflag:s14] =	ssyncset.done $0x0  }
0x6b: {  	[sflag:s14] =	ssyncadd.s32 $0xFFFFFC00  }
0x6c: {  	_ =	swait.ge [sflag:s14], $0x400  }
0x6d: {  	[sflag:s14] =	ssyncset.done $0x0  }
0x6e: {  	[sflag:s14] =	ssyncadd.s32 $0xFFFFFC00  }
0x6f: {  	_ =	swait.ge [sflag:s14], $0x400  }
0x70: {  	[sflag:s14] =	ssyncset.done $0x0  }
0x71: {  	[sflag:s14] =	ssyncadd.s32 $0xFFFFFC00  }
0x72: {  	_ =	swait.ge [sflag:s14], $0x400  }
0x73: {  	[sflag:s14] =	ssyncset.done $0x0  }
0x74: {  	[sflag:s14] =	ssyncadd.s32 $0xFFFFFC00  }
0x75: {  	_ =	swait.ge [sflag:s14], $0x400  }
0x76: {  	[sflag:s14] =	ssyncset.done $0x0  }
0x77: {  	[sflag:s14] =	ssyncadd.s32 $0xFFFFFC00  }
0x78: {  	_ =	swait.ge [sflag:s14], $0x400  }
0x79: {  	[sflag:s14] =	ssyncset.done $0x0  }
0x7a: {  	[sflag:s14] =	ssyncadd.s32 $0xFFFFFC00  }
0x7b: {  	_ =	swait.ge [sflag:s14], $0x400  }
0x7c: {  	[sflag:s14] =	ssyncset.done $0x0  }
0x7d: {  	[sflag:s14] =	ssyncadd.s32 $0xFFFFFC00  }
0x7e: {  	_ =	swait.ge [sflag:s14], $0x400  }
0x7f: {  	[sflag:s14] =	ssyncset.done $0x0  }
0x80: {  	[sflag:s14] =	ssyncadd.s32 $0xFFFFFC00  }
0x81: {  	_ =	swait.ge [sflag:s14], $0x400  }
0x82: {  	[sflag:s14] =	ssyncset.done $0x0  }
0x83: {  	s31 =	sadd.s32 $0x500, s6;
	[sflag:s14] =	ssyncadd.s32 $0xFFFFFC00  }
0x84: {  	[hbm4b:s31+s1] =	stream.linear.scatter [tilespmem:s10], [sflag:$0x3], $0x2800, $0x38;
	[tilespmem:$0xB400] =	vst v63  }
0x85: {  	s16 =	sadd.s32 $0xA00, s6;
	_ =	swait.ge [sflag:s7], $0x2800  }
0x86: {  	s17 =	simm.s32 $0x2800;
	s20 =	simm.s32 $0x5000;
	[sflag:s7] =	ssyncset.done $0x0  }
.LBB2_2:
0x87: {  	s19 =	sshra.s32 s17, $0x2;
	[sflag:s7] =	ssyncadd.s32 $0xFFFFD800  }
0x88: {  	[tilespmem:s9], [sflag:$0x1] =	stream.indirect.gather [hbm4b:s3+s8], $0x8, s19, s8, $0xb8;
	[tilespmem:$0xB400] =	vst v63  }
0x89: {  	s21 =	rddreg [dreg:$0x3];
	s22 =	sadd.s32 $0x80, s19  }
0x8a: {  	[tilespmem:s21], [sflag:$0x1] =	stream.indirect.gather [hbm4b:s3+s8], $0x8, s22, s8, $0xb8;
	[tilespmem:$0xB400] =	vst v63  }
0x8b: {  	s23 =	rddreg [dreg:$0x4];
	s25 =	sadd.s32 $0x100, s19  }
0x8c: {  	[tilespmem:s23], [sflag:$0x1] =	stream.indirect.gather [hbm4b:s3+s8], $0x8, s25, s8, $0xb8;
	[tilespmem:$0xB400] =	vst v63  }
0x8d: {  	s26 =	rddreg [dreg:$0x5];
	s28 =	sadd.s32 $0x180, s19  }
0x8e: {  	[tilespmem:s26], [sflag:$0x1] =	stream.indirect.gather [hbm4b:s3+s8], $0x8, s28, s8, $0xb8;
	[tilespmem:$0xB400] =	vst v63  }
0x8f: {  	s29 =	rddreg [dreg:$0x6];
	s30 =	sadd.s32 $0x200, s19  }
0x90: {  	[tilespmem:s29], [sflag:$0x1] =	stream.indirect.gather [hbm4b:s3+s8], $0x8, s30, s8, $0xb8;
	[tilespmem:$0xB400] =	vst v63  }
0x91: {  	s31 =	rddreg [dreg:$0x7];
	s23 =	sadd.s32 $0x280, s19  }
0x92: {  	[tilespmem:s31], [sflag:$0x1] =	stream.indirect.gather [hbm4b:s3+s8], $0x8, s23, s8, $0xb8;
	[tilespmem:$0xB400] =	vst v63  }
0x93: {  	s24 =	rddreg [dreg:$0x8];
	s25 =	sadd.s32 $0x300, s19  }
0x94: {  	[tilespmem:s24], [sflag:$0x1] =	stream.indirect.gather [hbm4b:s3+s8], $0x8, s25, s8, $0xb8;
	[tilespmem:$0xB400] =	vst v63  }
0x95: {  	s26 =	rddreg [dreg:$0x9];
	s28 =	sadd.s32 $0x380, s19  }
0x96: {  	[tilespmem:s26], [sflag:$0x1] =	stream.indirect.gather [hbm4b:s3+s8], $0x8, s28, s8, $0xb8;
	[tilespmem:$0xB400] =	vst v63  }
0x97: {  	s29 =	rddreg [dreg:$0xa];
	s30 =	sadd.s32 $0x400, s19  }
0x98: {  	[tilespmem:s29], [sflag:$0x1] =	stream.indirect.gather [hbm4b:s3+s8], $0x8, s30, s8, $0xb8;
	[tilespmem:$0xB400] =	vst v63  }
0x99: {  	s22 =	sadd.s32 $0x480, s19;
	s31 =	rddreg [dreg:$0xb]  }
0x9a: {  	[tilespmem:s31], [sflag:$0x1] =	stream.indirect.gather [hbm4b:s3+s8], $0x8, s22, s8, $0xb8;
	[tilespmem:$0xB400] =	vst v63  }
0x9b: {  	s23 =	sadd.s32 $0x500, s19  }
0x9c: {  	[tilespmem:s10], [sflag:$0x2] =	stream.indirect.gather [hbm4b:s3+s8], $0x8, s23, s8, $0xb8;
	[tilespmem:$0xB400] =	vst v63  }
0x9d: {  	s24 =	rddreg [dreg:$0xc];
	s25 =	sadd.s32 $0x580, s19  }
0x9e: {  	[tilespmem:s24], [sflag:$0x2] =	stream.indirect.gather [hbm4b:s3+s8], $0x8, s25, s8, $0xb8;
	[tilespmem:$0xB400] =	vst v63  }
0x9f: {  	s26 =	rddreg [dreg:$0xd];
	s28 =	sadd.s32 $0x600, s19  }
0xa0: {  	[tilespmem:s26], [sflag:$0x2] =	stream.indirect.gather [hbm4b:s3+s8], $0x8, s28, s8, $0xb8;
	[tilespmem:$0xB400] =	vst v63  }
0xa1: {  	s29 =	rddreg [dreg:$0xe];
	s30 =	sadd.s32 $0x680, s19  }
0xa2: {  	[tilespmem:s29], [sflag:$0x2] =	stream.indirect.gather [hbm4b:s3+s8], $0x8, s30, s8, $0xb8;
	[tilespmem:$0xB400] =	vst v63  }
0xa3: {  	s21 =	sadd.s32 $0x700, s19;
	s31 =	rddreg [dreg:$0xf]  }
0xa4: {  	[tilespmem:s31], [sflag:$0x2] =	stream.indirect.gather [hbm4b:s3+s8], $0x8, s21, s8, $0xb8;
	[tilespmem:$0xB400] =	vst v63  }
0xa5: {  	s23 =	rddreg [dreg:$0x10];
	s24 =	sadd.s32 $0x780, s19  }
0xa6: {  	[tilespmem:s23], [sflag:$0x2] =	stream.indirect.gather [hbm4b:s3+s8], $0x8, s24, s8, $0xb8;
	[tilespmem:$0xB400] =	vst v63  }
0xa7: {  	s25 =	rddreg [dreg:$0x11];
	s26 =	sadd.s32 $0x800, s19  }
0xa8: {  	[tilespmem:s25], [sflag:$0x2] =	stream.indirect.gather [hbm4b:s3+s8], $0x8, s26, s8, $0xb8;
	[tilespmem:$0xB400] =	vst v63  }
0xa9: {  	s28 =	rddreg [dreg:$0x12];
	s29 =	sadd.s32 $0x880, s19  }
0xaa: {  	[tilespmem:s28], [sflag:$0x2] =	stream.indirect.gather [hbm4b:s3+s8], $0x8, s29, s8, $0xb8;
	[tilespmem:$0xB400] =	vst v63  }
0xab: {  	s30 =	sadd.s32 $0x900, s19  }
0xac: {  	[tilespmem:s11], [sflag:$0x2] =	stream.indirect.gather [hbm4b:s3+s8], $0x8, s30, s8, $0xb8;
	[tilespmem:$0xB400] =	vst v63  }
0xad: {  	s19 =	sadd.s32 $0x980, s19  }
0xae: {  	[tilespmem:s12], [sflag:$0x2] =	stream.indirect.gather [hbm4b:s3+s8], $0x8, s19, s8, $0xb8;
	[tilespmem:$0xB400] =	vst v63  }
0xaf: {  	_ =	swait.ge [sflag:s13], $0x400  }
0xb0: {  	[sflag:s13] =	ssyncset.done $0x0  }
0xb1: {  	[sflag:s13] =	ssyncadd.s32 $0xFFFFFC00  }
0xb2: {  	_ =	swait.ge [sflag:s13], $0x400  }
0xb3: {  	[sflag:s13] =	ssyncset.done $0x0  }
0xb4: {  	[sflag:s13] =	ssyncadd.s32 $0xFFFFFC00  }
0xb5: {  	_ =	swait.ge [sflag:s13], $0x400  }
0xb6: {  	[sflag:s13] =	ssyncset.done $0x0  }
0xb7: {  	[sflag:s13] =	ssyncadd.s32 $0xFFFFFC00  }
0xb8: {  	_ =	swait.ge [sflag:s13], $0x400  }
0xb9: {  	[sflag:s13] =	ssyncset.done $0x0  }
0xba: {  	[sflag:s13] =	ssyncadd.s32 $0xFFFFFC00  }
0xbb: {  	_ =	swait.ge [sflag:s13], $0x400  }
0xbc: {  	[sflag:s13] =	ssyncset.done $0x0  }
0xbd: {  	[sflag:s13] =	ssyncadd.s32 $0xFFFFFC00  }
0xbe: {  	_ =	swait.ge [sflag:s13], $0x400  }
0xbf: {  	[sflag:s13] =	ssyncset.done $0x0  }
0xc0: {  	[sflag:s13] =	ssyncadd.s32 $0xFFFFFC00  }
0xc1: {  	_ =	swait.ge [sflag:s13], $0x400  }
0xc2: {  	[sflag:s13] =	ssyncset.done $0x0  }
0xc3: {  	[sflag:s13] =	ssyncadd.s32 $0xFFFFFC00  }
0xc4: {  	_ =	swait.ge [sflag:s13], $0x400  }
0xc5: {  	[sflag:s13] =	ssyncset.done $0x0  }
0xc6: {  	[sflag:s13] =	ssyncadd.s32 $0xFFFFFC00  }
0xc7: {  	_ =	swait.ge [sflag:s13], $0x400  }
0xc8: {  	[sflag:s13] =	ssyncset.done $0x0  }
0xc9: {  	[sflag:s13] =	ssyncadd.s32 $0xFFFFFC00  }
0xca: {  	_ =	swait.ge [sflag:s13], $0x400  }
0xcb: {  	[sflag:s13] =	ssyncset.done $0x0  }
0xcc: {  	[sflag:s13] =	ssyncadd.s32 $0xFFFFFC00  }
0xcd: {  	[hbm4b:s16+s1] =	stream.linear.scatter [tilespmem:s9], [sflag:$0x3], $0x2800, $0x38;
	[tilespmem:$0xB400] =	vst v63  }
0xce: {  	_ =	swait.ge [sflag:s7], $0x2800  }
0xcf: {  	[sflag:s7] =	ssyncset.done $0x0  }
0xd0: {  	[sflag:s7] =	ssyncadd.s32 $0xFFFFD800  }
0xd1: {  	_ =	swait.ge [sflag:s14], $0x400  }
0xd2: {  	[sflag:s14] =	ssyncset.done $0x0  }
0xd3: {  	[sflag:s14] =	ssyncadd.s32 $0xFFFFFC00  }
0xd4: {  	_ =	swait.ge [sflag:s14], $0x400  }
0xd5: {  	[sflag:s14] =	ssyncset.done $0x0  }
0xd6: {  	[sflag:s14] =	ssyncadd.s32 $0xFFFFFC00  }
0xd7: {  	_ =	swait.ge [sflag:s14], $0x400  }
0xd8: {  	[sflag:s14] =	ssyncset.done $0x0  }
0xd9: {  	[sflag:s14] =	ssyncadd.s32 $0xFFFFFC00  }
0xda: {  	_ =	swait.ge [sflag:s14], $0x400  }
0xdb: {  	[sflag:s14] =	ssyncset.done $0x0  }
0xdc: {  	[sflag:s14] =	ssyncadd.s32 $0xFFFFFC00  }
0xdd: {  	_ =	swait.ge [sflag:s14], $0x400  }
0xde: {  	[sflag:s14] =	ssyncset.done $0x0  }
0xdf: {  	[sflag:s14] =	ssyncadd.s32 $0xFFFFFC00  }
0xe0: {  	_ =	swait.ge [sflag:s14], $0x400  }
0xe1: {  	[sflag:s14] =	ssyncset.done $0x0  }
0xe2: {  	[sflag:s14] =	ssyncadd.s32 $0xFFFFFC00  }
0xe3: {  	_ =	swait.ge [sflag:s14], $0x400  }
0xe4: {  	[sflag:s14] =	ssyncset.done $0x0  }
0xe5: {  	[sflag:s14] =	ssyncadd.s32 $0xFFFFFC00  }
0xe6: {  	_ =	swait.ge [sflag:s14], $0x400  }
0xe7: {  	[sflag:s14] =	ssyncset.done $0x0  }
0xe8: {  	[sflag:s14] =	ssyncadd.s32 $0xFFFFFC00  }
0xe9: {  	_ =	swait.ge [sflag:s14], $0x400  }
0xea: {  	[sflag:s14] =	ssyncset.done $0x0  }
0xeb: {  	[sflag:s14] =	ssyncadd.s32 $0xFFFFFC00  }
0xec: {  	p0 =	sne.s32 s20, $0x16800;
	_ =	swait.ge [sflag:s14], $0x400  }
.Ltmp0:
0xed: {  	[sflag:s14] =	ssyncset.done $0x0;
	(pc) =	sbr.rel @p0 .LBB2_2-.Ltmp0, $4  }
0xee: {  	s31 =	sadd.s32 $0x500, s16;
	[sflag:s14] =	ssyncadd.s32 $0xFFFFFC00  }
0xef: {  	[hbm4b:s31+s1] =	stream.linear.scatter [tilespmem:s10], [sflag:$0x3], $0x2800, $0x38;
	[tilespmem:$0xB400] =	vst v63  }
0xf0: {  	s17 =	smov.u32 s20;
	s18 =	sadd.s32 $0x2800, s20;
	_ =	swait.ge [sflag:s7], $0x2800  }
0xf1: {  	s20 =	smov.u32 s18;
	s16 =	sadd.s32 $0xA00, s16;
	[sflag:s7] =	ssyncset.done $0x0  }
0xf2: {  	s17 =	sshra.s32 s17, $0x2;
	[sflag:s7] =	ssyncadd.s32 $0xFFFFD800  }
0xf3: {  	[tilespmem:s9], [sflag:$0x1] =	stream.indirect.gather [hbm4b:s3+s8], $0x8, s17, s8, $0xb8;
	[tilespmem:$0xB400] =	vst v63  }
0xf4: {  	s18 =	rddreg [dreg:$0x3];
	s19 =	sadd.s32 $0x80, s17  }
0xf5: {  	[tilespmem:s18], [sflag:$0x1] =	stream.indirect.gather [hbm4b:s3+s8], $0x8, s19, s8, $0xb8;
	[tilespmem:$0xB400] =	vst v63  }
0xf6: {  	s20 =	rddreg [dreg:$0x4];
	s21 =	sadd.s32 $0x100, s17  }
0xf7: {  	[tilespmem:s20], [sflag:$0x1] =	stream.indirect.gather [hbm4b:s3+s8], $0x8, s21, s8, $0xb8;
	[tilespmem:$0xB400] =	vst v63  }
0xf8: {  	s22 =	rddreg [dreg:$0x5];
	s23 =	sadd.s32 $0x180, s17  }
0xf9: {  	[tilespmem:s22], [sflag:$0x1] =	stream.indirect.gather [hbm4b:s3+s8], $0x8, s23, s8, $0xb8;
	[tilespmem:$0xB400] =	vst v63  }
0xfa: {  	s24 =	rddreg [dreg:$0x6];
	s25 =	sadd.s32 $0x200, s17  }
0xfb: {  	[tilespmem:s24], [sflag:$0x1] =	stream.indirect.gather [hbm4b:s3+s8], $0x8, s25, s8, $0xb8;
	[tilespmem:$0xB400] =	vst v63  }
0xfc: {  	s26 =	rddreg [dreg:$0x7];
	s28 =	sadd.s32 $0x280, s17  }
0xfd: {  	[tilespmem:s26], [sflag:$0x1] =	stream.indirect.gather [hbm4b:s3+s8], $0x8, s28, s8, $0xb8;
	[tilespmem:$0xB400] =	vst v63  }
0xfe: {  	s29 =	rddreg [dreg:$0x8];
	s30 =	sadd.s32 $0x300, s17  }
0xff: {  	[tilespmem:s29], [sflag:$0x1] =	stream.indirect.gather [hbm4b:s3+s8], $0x8, s30, s8, $0xb8;
	[tilespmem:$0xB400] =	vst v63  }
0x100: {  	s31 =	rddreg [dreg:$0x9];
	s20 =	sadd.s32 $0x380, s17  }
0x101: {  	[tilespmem:s31], [sflag:$0x1] =	stream.indirect.gather [hbm4b:s3+s8], $0x8, s20, s8, $0xb8;
	[tilespmem:$0xB400] =	vst v63  }
0x102: {  	s21 =	rddreg [dreg:$0xa];
	s22 =	sadd.s32 $0x400, s17  }
0x103: {  	[tilespmem:s21], [sflag:$0x1] =	stream.indirect.gather [hbm4b:s3+s8], $0x8, s22, s8, $0xb8;
	[tilespmem:$0xB400] =	vst v63  }
0x104: {  	s23 =	rddreg [dreg:$0xb];
	s24 =	sadd.s32 $0x480, s17  }
0x105: {  	[tilespmem:s23], [sflag:$0x1] =	stream.indirect.gather [hbm4b:s3+s8], $0x8, s24, s8, $0xb8;
	[tilespmem:$0xB400] =	vst v63  }
0x106: {  	s25 =	sadd.s32 $0x500, s17  }
0x107: {  	[tilespmem:s10], [sflag:$0x2] =	stream.indirect.gather [hbm4b:s3+s8], $0x8, s25, s8, $0xb8;
	[tilespmem:$0xB400] =	vst v63  }
0x108: {  	s26 =	rddreg [dreg:$0xc];
	s28 =	sadd.s32 $0x580, s17  }
0x109: {  	[tilespmem:s26], [sflag:$0x2] =	stream.indirect.gather [hbm4b:s3+s8], $0x8, s28, s8, $0xb8;
	[tilespmem:$0xB400] =	vst v63  }
0x10a: {  	s29 =	rddreg [dreg:$0xd];
	s30 =	sadd.s32 $0x600, s17  }
0x10b: {  	[tilespmem:s29], [sflag:$0x2] =	stream.indirect.gather [hbm4b:s3+s8], $0x8, s30, s8, $0xb8;
	[tilespmem:$0xB400] =	vst v63  }
0x10c: {  	s31 =	rddreg [dreg:$0xe];
	s20 =	sadd.s32 $0x680, s17  }
0x10d: {  	[tilespmem:s31], [sflag:$0x2] =	stream.indirect.gather [hbm4b:s3+s8], $0x8, s20, s8, $0xb8;
	[tilespmem:$0xB400] =	vst v63  }
0x10e: {  	s21 =	rddreg [dreg:$0xf];
	s22 =	sadd.s32 $0x700, s17  }
0x10f: {  	[tilespmem:s21], [sflag:$0x2] =	stream.indirect.gather [hbm4b:s3+s8], $0x8, s22, s8, $0xb8;
	[tilespmem:$0xB400] =	vst v63  }
0x110: {  	s23 =	rddreg [dreg:$0x10];
	s24 =	sadd.s32 $0x780, s17  }
0x111: {  	[tilespmem:s23], [sflag:$0x2] =	stream.indirect.gather [hbm4b:s3+s8], $0x8, s24, s8, $0xb8;
	[tilespmem:$0xB400] =	vst v63  }
0x112: {  	s25 =	rddreg [dreg:$0x11];
	s26 =	sadd.s32 $0x800, s17  }
0x113: {  	[tilespmem:s25], [sflag:$0x2] =	stream.indirect.gather [hbm4b:s3+s8], $0x8, s26, s8, $0xb8;
	[tilespmem:$0xB400] =	vst v63  }
0x114: {  	s28 =	rddreg [dreg:$0x12];
	s29 =	sadd.s32 $0x880, s17  }
0x115: {  	[tilespmem:s28], [sflag:$0x2] =	stream.indirect.gather [hbm4b:s3+s8], $0x8, s29, s8, $0xb8;
	[tilespmem:$0xB400] =	vst v63  }
0x116: {  	s30 =	sadd.s32 $0x900, s17  }
0x117: {  	[tilespmem:s11], [sflag:$0x2] =	stream.indirect.gather [hbm4b:s3+s8], $0x8, s30, s8, $0xb8;
	[tilespmem:$0xB400] =	vst v63  }
0x118: {  	s17 =	sadd.s32 $0x980, s17  }
0x119: {  	[tilespmem:s12], [sflag:$0x2] =	stream.indirect.gather [hbm4b:s3+s8], $0x8, s17, s8, $0xb8;
	[tilespmem:$0xB400] =	vst v63  }
0x11a: {  	_ =	swait.ge [sflag:s13], $0x400  }
0x11b: {  	[sflag:s13] =	ssyncset.done $0x0  }
0x11c: {  	[sflag:s13] =	ssyncadd.s32 $0xFFFFFC00  }
0x11d: {  	_ =	swait.ge [sflag:s13], $0x400  }
0x11e: {  	[sflag:s13] =	ssyncset.done $0x0  }
0x11f: {  	[sflag:s13] =	ssyncadd.s32 $0xFFFFFC00  }
0x120: {  	_ =	swait.ge [sflag:s13], $0x400  }
0x121: {  	[sflag:s13] =	ssyncset.done $0x0  }
0x122: {  	[sflag:s13] =	ssyncadd.s32 $0xFFFFFC00  }
0x123: {  	_ =	swait.ge [sflag:s13], $0x400  }
0x124: {  	[sflag:s13] =	ssyncset.done $0x0  }
0x125: {  	[sflag:s13] =	ssyncadd.s32 $0xFFFFFC00  }
0x126: {  	_ =	swait.ge [sflag:s13], $0x400  }
0x127: {  	[sflag:s13] =	ssyncset.done $0x0  }
0x128: {  	[sflag:s13] =	ssyncadd.s32 $0xFFFFFC00  }
0x129: {  	_ =	swait.ge [sflag:s13], $0x400  }
0x12a: {  	[sflag:s13] =	ssyncset.done $0x0  }
0x12b: {  	[sflag:s13] =	ssyncadd.s32 $0xFFFFFC00  }
0x12c: {  	_ =	swait.ge [sflag:s13], $0x400  }
0x12d: {  	[sflag:s13] =	ssyncset.done $0x0  }
0x12e: {  	[sflag:s13] =	ssyncadd.s32 $0xFFFFFC00  }
0x12f: {  	_ =	swait.ge [sflag:s13], $0x400  }
0x130: {  	[sflag:s13] =	ssyncset.done $0x0  }
0x131: {  	[sflag:s13] =	ssyncadd.s32 $0xFFFFFC00  }
0x132: {  	_ =	swait.ge [sflag:s13], $0x400  }
0x133: {  	[sflag:s13] =	ssyncset.done $0x0  }
0x134: {  	[sflag:s13] =	ssyncadd.s32 $0xFFFFFC00  }
0x135: {  	_ =	swait.ge [sflag:s13], $0x400  }
0x136: {  	[sflag:s13] =	ssyncset.done $0x0  }
0x137: {  	[sflag:s13] =	ssyncadd.s32 $0xFFFFFC00  }
0x138: {  	[hbm4b:s16+s1] =	stream.linear.scatter [tilespmem:s9], [sflag:$0x3], $0x2800, $0x38;
	[tilespmem:$0xB400] =	vst v63  }
0x139: {  	_ =	swait.ge [sflag:s7], $0x2800  }
0x13a: {  	[sflag:s7] =	ssyncset.done $0x0  }
0x13b: {  	[sflag:s7] =	ssyncadd.s32 $0xFFFFD800  }
0x13c: {  	_ =	swait.ge [sflag:s14], $0x400  }
0x13d: {  	[sflag:s14] =	ssyncset.done $0x0  }
0x13e: {  	[sflag:s14] =	ssyncadd.s32 $0xFFFFFC00  }
0x13f: {  	_ =	swait.ge [sflag:s14], $0x400  }
0x140: {  	[sflag:s14] =	ssyncset.done $0x0  }
0x141: {  	[sflag:s14] =	ssyncadd.s32 $0xFFFFFC00  }
0x142: {  	_ =	swait.ge [sflag:s14], $0x400  }
0x143: {  	[sflag:s14] =	ssyncset.done $0x0  }
0x144: {  	[sflag:s14] =	ssyncadd.s32 $0xFFFFFC00  }
0x145: {  	_ =	swait.ge [sflag:s14], $0x400  }
0x146: {  	[sflag:s14] =	ssyncset.done $0x0  }
0x147: {  	[sflag:s14] =	ssyncadd.s32 $0xFFFFFC00  }
0x148: {  	_ =	swait.ge [sflag:s14], $0x400  }
0x149: {  	[sflag:s14] =	ssyncset.done $0x0  }
0x14a: {  	[sflag:s14] =	ssyncadd.s32 $0xFFFFFC00  }
0x14b: {  	_ =	swait.ge [sflag:s14], $0x400  }
0x14c: {  	[sflag:s14] =	ssyncset.done $0x0  }
0x14d: {  	[sflag:s14] =	ssyncadd.s32 $0xFFFFFC00  }
0x14e: {  	_ =	swait.ge [sflag:s14], $0x400  }
0x14f: {  	[sflag:s14] =	ssyncset.done $0x0  }
0x150: {  	[sflag:s14] =	ssyncadd.s32 $0xFFFFFC00  }
0x151: {  	_ =	swait.ge [sflag:s14], $0x400  }
0x152: {  	[sflag:s14] =	ssyncset.done $0x0  }
0x153: {  	[sflag:s14] =	ssyncadd.s32 $0xFFFFFC00  }
0x154: {  	_ =	swait.ge [sflag:s14], $0x400  }
0x155: {  	[sflag:s14] =	ssyncset.done $0x0  }
0x156: {  	[sflag:s14] =	ssyncadd.s32 $0xFFFFFC00  }
0x157: {  	s15 =	sadd.s32 $0x1, s15;
	_ =	swait.ge [sflag:s14], $0x400  }
0x158: {  	p0 =	sne.s32 s15, s5;
	[sflag:s14] =	ssyncset.done $0x0  }
.Ltmp1:
0x159: {  	s31 =	sadd.s32 $0x500, s16;
	[sflag:s14] =	ssyncadd.s32 $0xFFFFFC00;
	(pc) =	sbr.rel @p0 .LBB2_1-.Ltmp1, $4  }
0x15a: {  	[hbm4b:s31+s1] =	stream.linear.scatter [tilespmem:s10], [sflag:$0x3], $0x2800, $0x38;
	[tilespmem:$0xB400] =	vst v63  }
0x15b: {  	_ =	swait.ge [sflag:s7], $0x2800  }
0x15c: {  	[sflag:s7] =	ssyncset.done $0x0  }
0x15d: {  	[sflag:s7] =	ssyncadd.s32 $0xFFFFD800  }
0x15e: {  	_ =	sfence.sel $0x180000  }
0x15f: {  	[bflag:$0x0] =	sbarrier.arrive $0xFFFF  }
0x160: {  	p0 =	sne.s32 s2, $0x0;
	_ =	strace $0x90000047  }
0x161: {  	s0 =	sadd.s32 @!p0 $0x100000, s0;
	[bflag:$0x2] =	sbarrier.arrive $0xFFFF  }
0x162: {  	[sflag:s0] =	ssyncadd.tile.s32 @!p0 $0x1;
	_ =	shalt  }
.Lfunc_end2:
_tile_overlayer_lowered:
.L_overlay_start_2:
0x163: {  	(tag) =	ssettag $0x2  }
0x164: {  	s0 =	rddreg [dreg:$0x0];
	s2 =	stileid.u32  }
0x165: {  	s1 =	rddreg [dreg:$0x1];
	p0 =	sne.s32 s2, $0x0  }
0x166: {  	s3 =	rddreg [dreg:$0x2];
	[bflag:$0x3] =	sbarrier.arrive $0xFFFF;
	s2 =	simm.s32 @!p0 $0x1C03  }
0x167: {  	[timem:s3], [sflag:s2] =	dma.local @!p0 [hbm:s0], s1  }
0x168: {  	s0 =	simm.s32 @!p0 $0x3  }
0x169: {  	_ =	swait.ge @!p0 [sflag:s0], s1  }
0x16a: {  	s1 =	ssub.s32 @!p0 $0x0, s1;
	[sflag:s0] =	ssyncset.done @!p0 $0x0  }
0x16b: {  	[sflag:s0] =	ssyncadd.s32 @!p0 s1  }
0x16c: {  	[bflag:$0x3] =	sbarrier.arrive $0xFFFF  }
0x16d: {  	_ =	shalt  }

</sc_bundles>
